<compile_context>
chip_gen: v7x
topology: tpu7x:2x2x1
jax: 0.10.2.dev20260603
libtpu: 0.0.44.dev20260713+nightly
codegen_flags: <defaults>
</compile_context>

<pallas_src>
import jax
import jax.numpy as jnp
from jax.experimental import pallas as pl
from jax.experimental.pallas import tpu as pltpu

_R, _L = 8, 128
_CHUNKS = 5
_CK = _R * _L
_C = _CHUNKS * _L
_NP = _CHUNKS * _CK
_NMS_THRESH = 0.3
_SCORE_THRESH = 0.05


def _nms_body(bt_ref, bs_ref, out_ref, keep_ref):
    S = bt_ref[40:48, :]
    keep_ref[...] = jnp.where(S > _SCORE_THRESH, 1.0, 0.0)

    IDXC = (jax.lax.broadcasted_iota(jnp.int32, (_R, _L), 0) * _L
            + jax.lax.broadcasted_iota(jnp.int32, (_R, _L), 1)
            ).astype(jnp.float32)

    for k in range(_CHUNKS):
        sl = slice(k * _L, (k + 1) * _L)
        tl = slice((k + 1) * _L, _C)
        Yc1 = bt_ref[0:8, sl]
        Xc1 = bt_ref[8:16, sl]
        Yc2 = bt_ref[16:24, sl]
        Xc2 = bt_ref[24:32, sl]
        Ac = bt_ref[32:40, sl]
        if k < _CHUNKS - 1:
            Yt1 = bt_ref[0:8, tl]
            Xt1 = bt_ref[8:16, tl]
            Yt2 = bt_ref[16:24, tl]
            Xt2 = bt_ref[24:32, tl]
            At = bt_ref[32:40, tl]

        keepc0 = keep_ref[:, sl]
        cur0 = jnp.min(jnp.where(keepc0 > 0.0, IDXC, float(_CK)))

        def cond(carry):
            return carry[0] < float(_CK)

        def body(carry, k=k):
            cur, keepc = carry
            ig = (k * _CK + cur.astype(jnp.int32)) * 5
            y1i = bs_ref[ig]
            x1i = bs_ref[ig + 1]
            y2i = bs_ref[ig + 2]
            x2i = bs_ref[ig + 3]
            ai = bs_ref[ig + 4]
            h = jnp.maximum(jnp.minimum(Yc2, y2i) - jnp.maximum(Yc1, y1i), 0.0)
            w = jnp.maximum(jnp.minimum(Xc2, x2i) - jnp.maximum(Xc1, x1i), 0.0)
            inter = h * w
            iou = inter / jnp.maximum((ai + Ac) - inter, 1e-9)
            supc = (iou > _NMS_THRESH) & (IDXC > cur)
            keepc_new = jnp.where(supc, 0.0, keepc)
            if k < _CHUNKS - 1:
                ht = jnp.maximum(
                    jnp.minimum(Yt2, y2i) - jnp.maximum(Yt1, y1i), 0.0)
                wt = jnp.maximum(
                    jnp.minimum(Xt2, x2i) - jnp.maximum(Xt1, x1i), 0.0)
                intert = ht * wt
                iout = intert / jnp.maximum((ai + At) - intert, 1e-9)
                keep_ref[:, tl] = jnp.where(
                    iout > _NMS_THRESH, 0.0, keep_ref[:, tl])
            nxt = jnp.min(
                jnp.where((keepc_new > 0.0) & (IDXC > cur), IDXC, float(_CK)))
            return nxt, keepc_new

        _, keepc_fin = jax.lax.while_loop(cond, body, (cur0, keepc0))
        keep_ref[:, sl] = keepc_fin

    out_ref[...] = keep_ref[...] * S


def _to_chunked(a):
    return a.reshape(_CHUNKS, _R, _L).transpose(1, 0, 2).reshape(_R, _C)


def kernel(boxes, scores):
    n = scores.shape[0]
    order = jnp.argsort(-scores)
    b = boxes[order]
    s = scores[order]
    area = (b[:, 2] - b[:, 0]) * (b[:, 3] - b[:, 1])
    pad = _NP - n
    cols = [b[:, 0], b[:, 1], b[:, 2], b[:, 3], area, s]
    bt = jnp.concatenate(
        [_to_chunked(jnp.pad(c, (0, pad))) for c in cols], axis=0)
    bs = jnp.pad(jnp.stack(cols[:5], axis=1), ((0, pad), (0, 0))).reshape(-1)

    kept = pl.pallas_call(
        _nms_body,
        in_specs=[pl.BlockSpec(memory_space=pltpu.VMEM),
                  pl.BlockSpec(memory_space=pltpu.SMEM)],
        out_shape=jax.ShapeDtypeStruct((_R, _C), jnp.float32),
        scratch_shapes=[pltpu.VMEM((_R, _C), jnp.float32)],
    )(bt, bs)

    kept = kept.reshape(_R, _CHUNKS, _L).transpose(1, 0, 2).reshape(-1)[:n]
    return jnp.zeros_like(scores).at[order].set(kept)

# --- scband reference (transcript-rebuilt; emitter-appended) ---
"""Pipeline reference for scband-faster-rcnn-86139864088940 (READ-ONLY COPY).

The authoritative reference and input builder live on the scoring server;
editing this copy changes nothing except your own understanding.
"""

import jax, jax.numpy as jnp
import numpy as np

N = 5000
NMS_THRESH = 0.3
SCORE_THRESH = 0.05


def setup_inputs(seed: int = 0) -> dict:
    key = jax.random.key(seed)
    k1, k2, k3 = jax.random.split(key, 3)
    # valid corner boxes: top-left in [0,800), width/height in [8,200)
    tl = jax.random.uniform(k1, (N, 2), dtype=jnp.float32, minval=0.0, maxval=800.0)
    wh = jax.random.uniform(k2, (N, 2), dtype=jnp.float32, minval=8.0, maxval=200.0)
    boxes = jnp.concatenate([tl, tl + wh], axis=1)
    scores = jax.random.uniform(k3, (N,), dtype=jnp.float32)
    return {"boxes": boxes, "scores": scores}


def _pairwise_iou(b):
    # b: [N, 4] as (y1, x1, y2, x2)
    tl = jnp.maximum(b[:, None, :2], b[None, :, :2])
    br = jnp.minimum(b[:, None, 2:], b[None, :, 2:])
    wh = jnp.clip(br - tl, 0.0)
    inter = wh[..., 0] * wh[..., 1]
    area = (b[:, 2] - b[:, 0]) * (b[:, 3] - b[:, 1])
    union = area[:, None] + area[None, :] - inter
    return inter / jnp.maximum(union, 1e-9)


def reference(boxes, scores):
    # Faithful greedy NMS as in FasterRCNN._suppress (single-class path):
    # 1) score threshold mask, 2) sort by score desc, 3) greedy IoU suppression.
    n = boxes.shape[0]
    order = jnp.argsort(-scores)
    b = boxes[order]
    s = scores[order]
    ious = _pairwise_iou(b)
    valid = s > SCORE_THRESH
    idx = jnp.arange(n)

    def step(keep, i):
        sup = (ious[i] > NMS_THRESH) & (idx > i) & keep[i] & keep
        return keep & (~sup), None

    keep, _ = jax.lax.scan(step, valid, jnp.arange(n))
    kept_scores_sorted = jnp.where(keep, s, 0.0)
    # scatter survivors' scores back to original box order
    out = jnp.zeros_like(scores).at[order].set(kept_scores_sorted)
    return out

if __name__ == "__main__":
    import jax
    _d = setup_inputs()
    print(jax.jit(kernel)(*tuple(_d.values())))

</pallas_src>

<mosaic_0001>
module attributes {stable_mosaic.version = 14 : i64} {
  func.func @_nms_body(%arg0: memref<48x640xf32, #tpu.memory_space<vmem>>, %arg1: memref<25600xf32, #tpu.memory_space<smem>>, %arg2: memref<8x640xf32, #tpu.memory_space<vmem>>, %arg3: memref<8x640xf32, #tpu.memory_space<vmem>>) attributes {dimension_semantics = [], scalar_prefetch = 0 : i64, scratch_operands = 1 : i64, tpu.core_type = #tpu.core_type<tc>} {
    %get3A = arith.constant 40 : index
    %get3A_0 = arith.constant 0 : index
    %get3A_1 = vector.load %arg0[%get3A, %get3A_0] : memref<48x640xf32, #tpu.memory_space<vmem>>, vector<8x640xf32>
    %gt3A = arith.constant 5.000000e-02 : f32
    %gt3A_2 = vector.broadcast %gt3A : f32 to vector<8x640xf32>
    %gt3A_3 = arith.cmpf ogt, %get3A_1, %gt3A_2 : vector<8x640xf32>
    %jit3A = arith.constant 1.000000e+00 : f32
    %jit3A_4 = arith.constant 0.000000e+00 : f32
    %broadcast_in_dim3A = vector.broadcast %jit3A : f32 to vector<8x640xf32>
    %broadcast_in_dim3A_5 = vector.broadcast %jit3A_4 : f32 to vector<8x640xf32>
    %select_n3A = arith.select %gt3A_3, %broadcast_in_dim3A, %broadcast_in_dim3A_5 : vector<8x640xi1>, vector<8x640xf32>
    %swap3A = arith.constant 0 : index
    %swap3A_6 = arith.constant 0 : index
    %swap3A_7 = vector.load %arg3[%swap3A, %swap3A_6] : memref<8x640xf32, #tpu.memory_space<vmem>>, vector<8x640xf32>
    tpu.vector_store %arg3[%swap3A, %swap3A_6], %select_n3A {strides = array<i32>} : memref<8x640xf32, #tpu.memory_space<vmem>>, vector<8x640xf32>,
    %iota3A = tpu.iota {dimensions = array<i32: 0>} : vector<8x128xi32>
    %mul3A = arith.constant 128 : i32
    %mul3A_8 = vector.broadcast %mul3A : i32 to vector<8x128xi32>
    %mul3A_9 = arith.muli %iota3A, %mul3A_8 : vector<8x128xi32>
    %iota3A_10 = tpu.iota {dimensions = array<i32: 1>} : vector<8x128xi32>
    %add3A = arith.addi %mul3A_9, %iota3A_10 : vector<8x128xi32>
    %convert_element_type3A = arith.sitofp %add3A : vector<8x128xi32> to vector<8x128xf32>
    %get3A_11 = arith.constant 0 : index
    %get3A_12 = arith.constant 0 : index
    %get3A_13 = vector.load %arg0[%get3A_11, %get3A_12] : memref<48x640xf32, #tpu.memory_space<vmem>>, vector<8x128xf32>
    %get3A_14 = arith.constant 8 : index
    %get3A_15 = arith.constant 0 : index
    %get3A_16 = vector.load %arg0[%get3A_14, %get3A_15] : memref<48x640xf32, #tpu.memory_space<vmem>>, vector<8x128xf32>
    %get3A_17 = arith.constant 16 : index
    %get3A_18 = arith.constant 0 : index
    %get3A_19 = vector.load %arg0[%get3A_17, %get3A_18] : memref<48x640xf32, #tpu.memory_space<vmem>>, vector<8x128xf32>
    %get3A_20 = arith.constant 24 : index
    %get3A_21 = arith.constant 0 : index
    %get3A_22 = vector.load %arg0[%get3A_20, %get3A_21] : memref<48x640xf32, #tpu.memory_space<vmem>>, vector<8x128xf32>
    %get3A_23 = arith.constant 32 : index
    %get3A_24 = arith.constant 0 : index
    %get3A_25 = vector.load %arg0[%get3A_23, %get3A_24] : memref<48x640xf32, #tpu.memory_space<vmem>>, vector<8x128xf32>
    %get3A_26 = arith.constant 0 : index
    %get3A_27 = arith.constant 128 : index
    %get3A_28 = vector.load %arg0[%get3A_26, %get3A_27] : memref<48x640xf32, #tpu.memory_space<vmem>>, vector<8x512xf32>
    %get3A_29 = arith.constant 8 : index
    %get3A_30 = arith.constant 128 : index
    %get3A_31 = vector.load %arg0[%get3A_29, %get3A_30] : memref<48x640xf32, #tpu.memory_space<vmem>>, vector<8x512xf32>
    %get3A_32 = arith.constant 16 : index
    %get3A_33 = arith.constant 128 : index
    %get3A_34 = vector.load %arg0[%get3A_32, %get3A_33] : memref<48x640xf32, #tpu.memory_space<vmem>>, vector<8x512xf32>
    %get3A_35 = arith.constant 24 : index
    %get3A_36 = arith.constant 128 : index
    %get3A_37 = vector.load %arg0[%get3A_35, %get3A_36] : memref<48x640xf32, #tpu.memory_space<vmem>>, vector<8x512xf32>
    %get3A_38 = arith.constant 32 : index
    %get3A_39 = arith.constant 128 : index
    %get3A_40 = vector.load %arg0[%get3A_38, %get3A_39] : memref<48x640xf32, #tpu.memory_space<vmem>>, vector<8x512xf32>
    %get3A_41 = arith.constant 0 : index
    %get3A_42 = arith.constant 0 : index
    %get3A_43 = vector.load %arg3[%get3A_41, %get3A_42] : memref<8x640xf32, #tpu.memory_space<vmem>>, vector<8x128xf32>
    %gt3A_44 = arith.constant 0.000000e+00 : f32
    %gt3A_45 = vector.broadcast %gt3A_44 : f32 to vector<8x128xf32>
    %gt3A_46 = arith.cmpf ogt, %get3A_43, %gt3A_45 : vector<8x128xf32>
    %jit3A_47 = arith.constant 1.024000e+03 : f32
    %broadcast_in_dim3A_48 = vector.broadcast %jit3A_47 : f32 to vector<8x128xf32>
    %select_n3A_49 = arith.select %gt3A_46, %convert_element_type3A, %broadcast_in_dim3A_48 : vector<8x128xi1>, vector<8x128xf32>
    %reduce_min3A = vector.shape_cast %select_n3A_49 : vector<8x128xf32> to vector<1x8x128xf32>
    %reduce_min3A_50 = arith.constant dense<0x7F800000> : vector<1xf32>
    %reduce_min3A_51 = vector.multi_reduction <minimumf>, %reduce_min3A, %reduce_min3A_50 [1, 2] : vector<1x8x128xf32> to vector<1xf32>
    %reduce_min3A_52 = vector.shape_cast %reduce_min3A_51 : vector<1xf32> to vector<1x1x1xf32>
    %reduce_min3A_53 = vector.extract %reduce_min3A_52[0, 0, 0] : f32 from vector<1x1x1xf32>
    %while3A:2 = scf.while (%while3A_241 = %reduce_min3A_53, %while3A_242 = %get3A_43) : (f32, vector<8x128xf32>) -> (f32, vector<8x128xf32>) {
      %lt3A = arith.constant 1.024000e+03 : f32
      %lt3A_243 = arith.cmpf olt, %while3A_241, %lt3A : f32
      scf.condition(%lt3A_243) %while3A_241, %while3A_242 : f32, vector<8x128xf32>
    } do {
    ^bb0(%while3A_241: f32, %while3A_242: vector<8x128xf32>):
      %convert_element_type3A_243 = arith.fptosi %while3A_241 : f32 to i32
      %add3A_244 = arith.constant 0 : i32
      %add3A_245 = arith.addi %add3A_244, %convert_element_type3A_243 : i32
      %mul3A_246 = arith.constant 5 : i32
      %mul3A_247 = arith.muli %add3A_245, %mul3A_246 : i32
      %get3A_248 = arith.index_cast %mul3A_247 : i32 to index
      %get3A_249 = memref.load %arg1[%get3A_248] : memref<25600xf32, #tpu.memory_space<smem>>
      %add3A_250 = arith.constant 1 : i32
      %add3A_251 = arith.addi %mul3A_247, %add3A_250 : i32
      %get3A_252 = arith.index_cast %add3A_251 : i32 to index
      %get3A_253 = memref.load %arg1[%get3A_252] : memref<25600xf32, #tpu.memory_space<smem>>
      %add3A_254 = arith.constant 2 : i32
      %add3A_255 = arith.addi %mul3A_247, %add3A_254 : i32
      %get3A_256 = arith.index_cast %add3A_255 : i32 to index
      %get3A_257 = memref.load %arg1[%get3A_256] : memref<25600xf32, #tpu.memory_space<smem>>
      %add3A_258 = arith.constant 3 : i32
      %add3A_259 = arith.addi %mul3A_247, %add3A_258 : i32
      %get3A_260 = arith.index_cast %add3A_259 : i32 to index
      %get3A_261 = memref.load %arg1[%get3A_260] : memref<25600xf32, #tpu.memory_space<smem>>
      %add3A_262 = arith.constant 4 : i32
      %add3A_263 = arith.addi %mul3A_247, %add3A_262 : i32
      %get3A_264 = arith.index_cast %add3A_263 : i32 to index
      %get3A_265 = memref.load %arg1[%get3A_264] : memref<25600xf32, #tpu.memory_space<smem>>
      %min3A = vector.broadcast %get3A_257 : f32 to vector<8x128xf32>
      %min3A_266 = arith.minimumf %get3A_19, %min3A : vector<8x128xf32>
      %max3A = vector.broadcast %get3A_249 : f32 to vector<8x128xf32>
      %max3A_267 = arith.maximumf %get3A_13, %max3A : vector<8x128xf32>
      %sub3A = arith.subf %min3A_266, %max3A_267 : vector<8x128xf32>
      %max3A_268 = arith.constant 0.000000e+00 : f32
      %max3A_269 = vector.broadcast %max3A_268 : f32 to vector<8x128xf32>
      %max3A_270 = arith.maximumf %sub3A, %max3A_269 : vector<8x128xf32>
      %min3A_271 = vector.broadcast %get3A_261 : f32 to vector<8x128xf32>
      %min3A_272 = arith.minimumf %get3A_22, %min3A_271 : vector<8x128xf32>
      %max3A_273 = vector.broadcast %get3A_253 : f32 to vector<8x128xf32>
      %max3A_274 = arith.maximumf %get3A_16, %max3A_273 : vector<8x128xf32>
      %sub3A_275 = arith.subf %min3A_272, %max3A_274 : vector<8x128xf32>
      %max3A_276 = arith.constant 0.000000e+00 : f32
      %max3A_277 = vector.broadcast %max3A_276 : f32 to vector<8x128xf32>
      %max3A_278 = arith.maximumf %sub3A_275, %max3A_277 : vector<8x128xf32>
      %mul3A_279 = arith.mulf %max3A_270, %max3A_278 : vector<8x128xf32>
      %add3A_280 = vector.broadcast %get3A_265 : f32 to vector<8x128xf32>
      %add3A_281 = arith.addf %add3A_280, %get3A_25 : vector<8x128xf32>
      %sub3A_282 = arith.subf %add3A_281, %mul3A_279 : vector<8x128xf32>
      %max3A_283 = arith.constant 9.99999971E-10 : f32
      %max3A_284 = vector.broadcast %max3A_283 : f32 to vector<8x128xf32>
      %max3A_285 = arith.maximumf %sub3A_282, %max3A_284 : vector<8x128xf32>
      %div3A = arith.divf %mul3A_279, %max3A_285 : vector<8x128xf32>
      %gt3A_286 = arith.constant 3.000000e-01 : f32
      %gt3A_287 = vector.broadcast %gt3A_286 : f32 to vector<8x128xf32>
      %gt3A_288 = arith.cmpf ogt, %div3A, %gt3A_287 : vector<8x128xf32>
      %gt3A_289 = vector.broadcast %while3A_241 : f32 to vector<8x128xf32>
      %gt3A_290 = arith.cmpf ogt, %convert_element_type3A, %gt3A_289 : vector<8x128xf32>
      %and3A = arith.andi %gt3A_288, %gt3A_290 : vector<8x128xi1>
      %jit3A_291 = arith.constant 0.000000e+00 : f32
      %broadcast_in_dim3A_292 = vector.broadcast %jit3A_291 : f32 to vector<8x128xf32>
      %select_n3A_293 = arith.select %and3A, %broadcast_in_dim3A_292, %while3A_242 : vector<8x128xi1>, vector<8x128xf32>
      %min3A_294 = vector.broadcast %get3A_257 : f32 to vector<8x512xf32>
      %min3A_295 = arith.minimumf %get3A_34, %min3A_294 : vector<8x512xf32>
      %max3A_296 = vector.broadcast %get3A_249 : f32 to vector<8x512xf32>
      %max3A_297 = arith.maximumf %get3A_28, %max3A_296 : vector<8x512xf32>
      %sub3A_298 = arith.subf %min3A_295, %max3A_297 : vector<8x512xf32>
      %max3A_299 = arith.constant 0.000000e+00 : f32
      %max3A_300 = vector.broadcast %max3A_299 : f32 to vector<8x512xf32>
      %max3A_301 = arith.maximumf %sub3A_298, %max3A_300 : vector<8x512xf32>
      %min3A_302 = vector.broadcast %get3A_261 : f32 to vector<8x512xf32>
      %min3A_303 = arith.minimumf %get3A_37, %min3A_302 : vector<8x512xf32>
      %max3A_304 = vector.broadcast %get3A_253 : f32 to vector<8x512xf32>
      %max3A_305 = arith.maximumf %get3A_31, %max3A_304 : vector<8x512xf32>
      %sub3A_306 = arith.subf %min3A_303, %max3A_305 : vector<8x512xf32>
      %max3A_307 = arith.constant 0.000000e+00 : f32
      %max3A_308 = vector.broadcast %max3A_307 : f32 to vector<8x512xf32>
      %max3A_309 = arith.maximumf %sub3A_306, %max3A_308 : vector<8x512xf32>
      %mul3A_310 = arith.mulf %max3A_301, %max3A_309 : vector<8x512xf32>
      %add3A_311 = vector.broadcast %get3A_265 : f32 to vector<8x512xf32>
      %add3A_312 = arith.addf %add3A_311, %get3A_40 : vector<8x512xf32>
      %sub3A_313 = arith.subf %add3A_312, %mul3A_310 : vector<8x512xf32>
      %max3A_314 = arith.constant 9.99999971E-10 : f32
      %max3A_315 = vector.broadcast %max3A_314 : f32 to vector<8x512xf32>
      %max3A_316 = arith.maximumf %sub3A_313, %max3A_315 : vector<8x512xf32>
      %div3A_317 = arith.divf %mul3A_310, %max3A_316 : vector<8x512xf32>
      %gt3A_318 = arith.constant 3.000000e-01 : f32
      %gt3A_319 = vector.broadcast %gt3A_318 : f32 to vector<8x512xf32>
      %gt3A_320 = arith.cmpf ogt, %div3A_317, %gt3A_319 : vector<8x512xf32>
      %get3A_321 = arith.constant 0 : index
      %get3A_322 = arith.constant 128 : index
      %get3A_323 = vector.load %arg3[%get3A_321, %get3A_322] : memref<8x640xf32, #tpu.memory_space<vmem>>, vector<8x512xf32>
      %jit3A_324 = arith.constant 0.000000e+00 : f32
      %broadcast_in_dim3A_325 = vector.broadcast %jit3A_324 : f32 to vector<8x512xf32>
      %select_n3A_326 = arith.select %gt3A_320, %broadcast_in_dim3A_325, %get3A_323 : vector<8x512xi1>, vector<8x512xf32>
      %swap3A_327 = arith.constant 0 : index
      %swap3A_328 = arith.constant 128 : index
      %swap3A_329 = vector.load %arg3[%swap3A_327, %swap3A_328] : memref<8x640xf32, #tpu.memory_space<vmem>>, vector<8x512xf32>
      tpu.vector_store %arg3[%swap3A_327, %swap3A_328], %select_n3A_326 {strides = array<i32>} : memref<8x640xf32, #tpu.memory_space<vmem>>, vector<8x512xf32>,
      %gt3A_330 = arith.constant 0.000000e+00 : f32
      %gt3A_331 = vector.broadcast %gt3A_330 : f32 to vector<8x128xf32>
      %gt3A_332 = arith.cmpf ogt, %select_n3A_293, %gt3A_331 : vector<8x128xf32>
      %gt3A_333 = vector.broadcast %while3A_241 : f32 to vector<8x128xf32>
      %gt3A_334 = arith.cmpf ogt, %convert_element_type3A, %gt3A_333 : vector<8x128xf32>
      %and3A_335 = arith.andi %gt3A_332, %gt3A_334 : vector<8x128xi1>
      %jit3A_336 = arith.constant 1.024000e+03 : f32
      %broadcast_in_dim3A_337 = vector.broadcast %jit3A_336 : f32 to vector<8x128xf32>
      %select_n3A_338 = arith.select %and3A_335, %convert_element_type3A, %broadcast_in_dim3A_337 : vector<8x128xi1>, vector<8x128xf32>
      %reduce_min3A_339 = vector.shape_cast %select_n3A_338 : vector<8x128xf32> to vector<1x8x128xf32>
      %reduce_min3A_340 = arith.constant dense<0x7F800000> : vector<1xf32>
      %reduce_min3A_341 = vector.multi_reduction <minimumf>, %reduce_min3A_339, %reduce_min3A_340 [1, 2] : vector<1x8x128xf32> to vector<1xf32>
      %reduce_min3A_342 = vector.shape_cast %reduce_min3A_341 : vector<1xf32> to vector<1x1x1xf32>
      %reduce_min3A_343 = vector.extract %reduce_min3A_342[0, 0, 0] : f32 from vector<1x1x1xf32>
      scf.yield %reduce_min3A_343, %select_n3A_293 : f32, vector<8x128xf32>
    }
    %swap3A_54 = arith.constant 0 : index
    %swap3A_55 = arith.constant 0 : index
    %swap3A_56 = vector.load %arg3[%swap3A_54, %swap3A_55] : memref<8x640xf32, #tpu.memory_space<vmem>>, vector<8x128xf32>
    tpu.vector_store %arg3[%swap3A_54, %swap3A_55], %while3A#1 {strides = array<i32>} : memref<8x640xf32, #tpu.memory_space<vmem>>, vector<8x128xf32>,
    %get3A_57 = arith.constant 0 : index
    %get3A_58 = arith.constant 128 : index
    %get3A_59 = vector.load %arg0[%get3A_57, %get3A_58] : memref<48x640xf32, #tpu.memory_space<vmem>>, vector<8x128xf32>
    %get3A_60 = arith.constant 8 : index
    %get3A_61 = arith.constant 128 : index
    %get3A_62 = vector.load %arg0[%get3A_60, %get3A_61] : memref<48x640xf32, #tpu.memory_space<vmem>>, vector<8x128xf32>
    %get3A_63 = arith.constant 16 : index
    %get3A_64 = arith.constant 128 : index
    %get3A_65 = vector.load %arg0[%get3A_63, %get3A_64] : memref<48x640xf32, #tpu.memory_space<vmem>>, vector<8x128xf32>
    %get3A_66 = arith.constant 24 : index
    %get3A_67 = arith.constant 128 : index
    %get3A_68 = vector.load %arg0[%get3A_66, %get3A_67] : memref<48x640xf32, #tpu.memory_space<vmem>>, vector<8x128xf32>
    %get3A_69 = arith.constant 32 : index
    %get3A_70 = arith.constant 128 : index
    %get3A_71 = vector.load %arg0[%get3A_69, %get3A_70] : memref<48x640xf32, #tpu.memory_space<vmem>>, vector<8x128xf32>
    %get3A_72 = arith.constant 0 : index
    %get3A_73 = arith.constant 256 : index
    %get3A_74 = vector.load %arg0[%get3A_72, %get3A_73] : memref<48x640xf32, #tpu.memory_space<vmem>>, vector<8x384xf32>
    %get3A_75 = arith.constant 8 : index
    %get3A_76 = arith.constant 256 : index
    %get3A_77 = vector.load %arg0[%get3A_75, %get3A_76] : memref<48x640xf32, #tpu.memory_space<vmem>>, vector<8x384xf32>
    %get3A_78 = arith.constant 16 : index
    %get3A_79 = arith.constant 256 : index
    %get3A_80 = vector.load %arg0[%get3A_78, %get3A_79] : memref<48x640xf32, #tpu.memory_space<vmem>>, vector<8x384xf32>
    %get3A_81 = arith.constant 24 : index
    %get3A_82 = arith.constant 256 : index
    %get3A_83 = vector.load %arg0[%get3A_81, %get3A_82] : memref<48x640xf32, #tpu.memory_space<vmem>>, vector<8x384xf32>
    %get3A_84 = arith.constant 32 : index
    %get3A_85 = arith.constant 256 : index
    %get3A_86 = vector.load %arg0[%get3A_84, %get3A_85] : memref<48x640xf32, #tpu.memory_space<vmem>>, vector<8x384xf32>
    %get3A_87 = arith.constant 0 : index
    %get3A_88 = arith.constant 128 : index
    %get3A_89 = vector.load %arg3[%get3A_87, %get3A_88] : memref<8x640xf32, #tpu.memory_space<vmem>>, vector<8x128xf32>
    %gt3A_90 = arith.constant 0.000000e+00 : f32
    %gt3A_91 = vector.broadcast %gt3A_90 : f32 to vector<8x128xf32>
    %gt3A_92 = arith.cmpf ogt, %get3A_89, %gt3A_91 : vector<8x128xf32>
    %jit3A_93 = arith.constant 1.024000e+03 : f32
    %broadcast_in_dim3A_94 = vector.broadcast %jit3A_93 : f32 to vector<8x128xf32>
    %select_n3A_95 = arith.select %gt3A_92, %convert_element_type3A, %broadcast_in_dim3A_94 : vector<8x128xi1>, vector<8x128xf32>
    %reduce_min3A_96 = vector.shape_cast %select_n3A_95 : vector<8x128xf32> to vector<1x8x128xf32>
    %reduce_min3A_97 = arith.constant dense<0x7F800000> : vector<1xf32>
    %reduce_min3A_98 = vector.multi_reduction <minimumf>, %reduce_min3A_96, %reduce_min3A_97 [1, 2] : vector<1x8x128xf32> to vector<1xf32>
    %reduce_min3A_99 = vector.shape_cast %reduce_min3A_98 : vector<1xf32> to vector<1x1x1xf32>
    %reduce_min3A_100 = vector.extract %reduce_min3A_99[0, 0, 0] : f32 from vector<1x1x1xf32>
    %while3A_101:2 = scf.while (%while3A_241 = %reduce_min3A_100, %while3A_242 = %get3A_89) : (f32, vector<8x128xf32>) -> (f32, vector<8x128xf32>) {
      %lt3A = arith.constant 1.024000e+03 : f32
      %lt3A_243 = arith.cmpf olt, %while3A_241, %lt3A : f32
      scf.condition(%lt3A_243) %while3A_241, %while3A_242 : f32, vector<8x128xf32>
    } do {
    ^bb0(%while3A_241: f32, %while3A_242: vector<8x128xf32>):
      %convert_element_type3A_243 = arith.fptosi %while3A_241 : f32 to i32
      %add3A_244 = arith.constant 1024 : i32
      %add3A_245 = arith.addi %add3A_244, %convert_element_type3A_243 : i32
      %mul3A_246 = arith.constant 5 : i32
      %mul3A_247 = arith.muli %add3A_245, %mul3A_246 : i32
      %get3A_248 = arith.index_cast %mul3A_247 : i32 to index
      %get3A_249 = memref.load %arg1[%get3A_248] : memref<25600xf32, #tpu.memory_space<smem>>
      %add3A_250 = arith.constant 1 : i32
      %add3A_251 = arith.addi %mul3A_247, %add3A_250 : i32
      %get3A_252 = arith.index_cast %add3A_251 : i32 to index
      %get3A_253 = memref.load %arg1[%get3A_252] : memref<25600xf32, #tpu.memory_space<smem>>
      %add3A_254 = arith.constant 2 : i32
      %add3A_255 = arith.addi %mul3A_247, %add3A_254 : i32
      %get3A_256 = arith.index_cast %add3A_255 : i32 to index
      %get3A_257 = memref.load %arg1[%get3A_256] : memref<25600xf32, #tpu.memory_space<smem>>
      %add3A_258 = arith.constant 3 : i32
      %add3A_259 = arith.addi %mul3A_247, %add3A_258 : i32
      %get3A_260 = arith.index_cast %add3A_259 : i32 to index
      %get3A_261 = memref.load %arg1[%get3A_260] : memref<25600xf32, #tpu.memory_space<smem>>
      %add3A_262 = arith.constant 4 : i32
      %add3A_263 = arith.addi %mul3A_247, %add3A_262 : i32
      %get3A_264 = arith.index_cast %add3A_263 : i32 to index
      %get3A_265 = memref.load %arg1[%get3A_264] : memref<25600xf32, #tpu.memory_space<smem>>
      %min3A = vector.broadcast %get3A_257 : f32 to vector<8x128xf32>
      %min3A_266 = arith.minimumf %get3A_65, %min3A : vector<8x128xf32>
      %max3A = vector.broadcast %get3A_249 : f32 to vector<8x128xf32>
      %max3A_267 = arith.maximumf %get3A_59, %max3A : vector<8x128xf32>
      %sub3A = arith.subf %min3A_266, %max3A_267 : vector<8x128xf32>
      %max3A_268 = arith.constant 0.000000e+00 : f32
      %max3A_269 = vector.broadcast %max3A_268 : f32 to vector<8x128xf32>
      %max3A_270 = arith.maximumf %sub3A, %max3A_269 : vector<8x128xf32>
      %min3A_271 = vector.broadcast %get3A_261 : f32 to vector<8x128xf32>
      %min3A_272 = arith.minimumf %get3A_68, %min3A_271 : vector<8x128xf32>
      %max3A_273 = vector.broadcast %get3A_253 : f32 to vector<8x128xf32>
      %max3A_274 = arith.maximumf %get3A_62, %max3A_273 : vector<8x128xf32>
      %sub3A_275 = arith.subf %min3A_272, %max3A_274 : vector<8x128xf32>
      %max3A_276 = arith.constant 0.000000e+00 : f32
      %max3A_277 = vector.broadcast %max3A_276 : f32 to vector<8x128xf32>
      %max3A_278 = arith.maximumf %sub3A_275, %max3A_277 : vector<8x128xf32>
      %mul3A_279 = arith.mulf %max3A_270, %max3A_278 : vector<8x128xf32>
      %add3A_280 = vector.broadcast %get3A_265 : f32 to vector<8x128xf32>
      %add3A_281 = arith.addf %add3A_280, %get3A_71 : vector<8x128xf32>
      %sub3A_282 = arith.subf %add3A_281, %mul3A_279 : vector<8x128xf32>
      %max3A_283 = arith.constant 9.99999971E-10 : f32
      %max3A_284 = vector.broadcast %max3A_283 : f32 to vector<8x128xf32>
      %max3A_285 = arith.maximumf %sub3A_282, %max3A_284 : vector<8x128xf32>
      %div3A = arith.divf %mul3A_279, %max3A_285 : vector<8x128xf32>
      %gt3A_286 = arith.constant 3.000000e-01 : f32
      %gt3A_287 = vector.broadcast %gt3A_286 : f32 to vector<8x128xf32>
      %gt3A_288 = arith.cmpf ogt, %div3A, %gt3A_287 : vector<8x128xf32>
      %gt3A_289 = vector.broadcast %while3A_241 : f32 to vector<8x128xf32>
      %gt3A_290 = arith.cmpf ogt, %convert_element_type3A, %gt3A_289 : vector<8x128xf32>
      %and3A = arith.andi %gt3A_288, %gt3A_290 : vector<8x128xi1>
      %jit3A_291 = arith.constant 0.000000e+00 : f32
      %broadcast_in_dim3A_292 = vector.broadcast %jit3A_291 : f32 to vector<8x128xf32>
      %select_n3A_293 = arith.select %and3A, %broadcast_in_dim3A_292, %while3A_242 : vector<8x128xi1>, vector<8x128xf32>
      %min3A_294 = vector.broadcast %get3A_257 : f32 to vector<8x384xf32>
      %min3A_295 = arith.minimumf %get3A_80, %min3A_294 : vector<8x384xf32>
      %max3A_296 = vector.broadcast %get3A_249 : f32 to vector<8x384xf32>
      %max3A_297 = arith.maximumf %get3A_74, %max3A_296 : vector<8x384xf32>
      %sub3A_298 = arith.subf %min3A_295, %max3A_297 : vector<8x384xf32>
      %max3A_299 = arith.constant 0.000000e+00 : f32
      %max3A_300 = vector.broadcast %max3A_299 : f32 to vector<8x384xf32>
      %max3A_301 = arith.maximumf %sub3A_298, %max3A_300 : vector<8x384xf32>
      %min3A_302 = vector.broadcast %get3A_261 : f32 to vector<8x384xf32>
      %min3A_303 = arith.minimumf %get3A_83, %min3A_302 : vector<8x384xf32>
      %max3A_304 = vector.broadcast %get3A_253 : f32 to vector<8x384xf32>
      %max3A_305 = arith.maximumf %get3A_77, %max3A_304 : vector<8x384xf32>
      %sub3A_306 = arith.subf %min3A_303, %max3A_305 : vector<8x384xf32>
      %max3A_307 = arith.constant 0.000000e+00 : f32
      %max3A_308 = vector.broadcast %max3A_307 : f32 to vector<8x384xf32>
      %max3A_309 = arith.maximumf %sub3A_306, %max3A_308 : vector<8x384xf32>
      %mul3A_310 = arith.mulf %max3A_301, %max3A_309 : vector<8x384xf32>
      %add3A_311 = vector.broadcast %get3A_265 : f32 to vector<8x384xf32>
      %add3A_312 = arith.addf %add3A_311, %get3A_86 : vector<8x384xf32>
      %sub3A_313 = arith.subf %add3A_312, %mul3A_310 : vector<8x384xf32>
      %max3A_314 = arith.constant 9.99999971E-10 : f32
      %max3A_315 = vector.broadcast %max3A_314 : f32 to vector<8x384xf32>
      %max3A_316 = arith.maximumf %sub3A_313, %max3A_315 : vector<8x384xf32>
      %div3A_317 = arith.divf %mul3A_310, %max3A_316 : vector<8x384xf32>
      %gt3A_318 = arith.constant 3.000000e-01 : f32
      %gt3A_319 = vector.broadcast %gt3A_318 : f32 to vector<8x384xf32>
      %gt3A_320 = arith.cmpf ogt, %div3A_317, %gt3A_319 : vector<8x384xf32>
      %get3A_321 = arith.constant 0 : index
      %get3A_322 = arith.constant 256 : index
      %get3A_323 = vector.load %arg3[%get3A_321, %get3A_322] : memref<8x640xf32, #tpu.memory_space<vmem>>, vector<8x384xf32>
      %jit3A_324 = arith.constant 0.000000e+00 : f32
      %broadcast_in_dim3A_325 = vector.broadcast %jit3A_324 : f32 to vector<8x384xf32>
      %select_n3A_326 = arith.select %gt3A_320, %broadcast_in_dim3A_325, %get3A_323 : vector<8x384xi1>, vector<8x384xf32>
      %swap3A_327 = arith.constant 0 : index
      %swap3A_328 = arith.constant 256 : index
      %swap3A_329 = vector.load %arg3[%swap3A_327, %swap3A_328] : memref<8x640xf32, #tpu.memory_space<vmem>>, vector<8x384xf32>
      tpu.vector_store %arg3[%swap3A_327, %swap3A_328], %select_n3A_326 {strides = array<i32>} : memref<8x640xf32, #tpu.memory_space<vmem>>, vector<8x384xf32>,
      %gt3A_330 = arith.constant 0.000000e+00 : f32
      %gt3A_331 = vector.broadcast %gt3A_330 : f32 to vector<8x128xf32>
      %gt3A_332 = arith.cmpf ogt, %select_n3A_293, %gt3A_331 : vector<8x128xf32>
      %gt3A_333 = vector.broadcast %while3A_241 : f32 to vector<8x128xf32>
      %gt3A_334 = arith.cmpf ogt, %convert_element_type3A, %gt3A_333 : vector<8x128xf32>
      %and3A_335 = arith.andi %gt3A_332, %gt3A_334 : vector<8x128xi1>
      %jit3A_336 = arith.constant 1.024000e+03 : f32
      %broadcast_in_dim3A_337 = vector.broadcast %jit3A_336 : f32 to vector<8x128xf32>
      %select_n3A_338 = arith.select %and3A_335, %convert_element_type3A, %broadcast_in_dim3A_337 : vector<8x128xi1>, vector<8x128xf32>
      %reduce_min3A_339 = vector.shape_cast %select_n3A_338 : vector<8x128xf32> to vector<1x8x128xf32>
      %reduce_min3A_340 = arith.constant dense<0x7F800000> : vector<1xf32>
      %reduce_min3A_341 = vector.multi_reduction <minimumf>, %reduce_min3A_339, %reduce_min3A_340 [1, 2] : vector<1x8x128xf32> to vector<1xf32>
      %reduce_min3A_342 = vector.shape_cast %reduce_min3A_341 : vector<1xf32> to vector<1x1x1xf32>
      %reduce_min3A_343 = vector.extract %reduce_min3A_342[0, 0, 0] : f32 from vector<1x1x1xf32>
      scf.yield %reduce_min3A_343, %select_n3A_293 : f32, vector<8x128xf32>
    }
    %swap3A_102 = arith.constant 0 : index
    %swap3A_103 = arith.constant 128 : index
    %swap3A_104 = vector.load %arg3[%swap3A_102, %swap3A_103] : memref<8x640xf32, #tpu.memory_space<vmem>>, vector<8x128xf32>
    tpu.vector_store %arg3[%swap3A_102, %swap3A_103], %while3A_101#1 {strides = array<i32>} : memref<8x640xf32, #tpu.memory_space<vmem>>, vector<8x128xf32>,
    %get3A_105 = arith.constant 0 : index
    %get3A_106 = arith.constant 256 : index
    %get3A_107 = vector.load %arg0[%get3A_105, %get3A_106] : memref<48x640xf32, #tpu.memory_space<vmem>>, vector<8x128xf32>
    %get3A_108 = arith.constant 8 : index
    %get3A_109 = arith.constant 256 : index
    %get3A_110 = vector.load %arg0[%get3A_108, %get3A_109] : memref<48x640xf32, #tpu.memory_space<vmem>>, vector<8x128xf32>
    %get3A_111 = arith.constant 16 : index
    %get3A_112 = arith.constant 256 : index
    %get3A_113 = vector.load %arg0[%get3A_111, %get3A_112] : memref<48x640xf32, #tpu.memory_space<vmem>>, vector<8x128xf32>
    %get3A_114 = arith.constant 24 : index
    %get3A_115 = arith.constant 256 : index
    %get3A_116 = vector.load %arg0[%get3A_114, %get3A_115] : memref<48x640xf32, #tpu.memory_space<vmem>>, vector<8x128xf32>
    %get3A_117 = arith.constant 32 : index
    %get3A_118 = arith.constant 256 : index
    %get3A_119 = vector.load %arg0[%get3A_117, %get3A_118] : memref<48x640xf32, #tpu.memory_space<vmem>>, vector<8x128xf32>
    %get3A_120 = arith.constant 0 : index
    %get3A_121 = arith.constant 384 : index
    %get3A_122 = vector.load %arg0[%get3A_120, %get3A_121] : memref<48x640xf32, #tpu.memory_space<vmem>>, vector<8x256xf32>
    %get3A_123 = arith.constant 8 : index
    %get3A_124 = arith.constant 384 : index
    %get3A_125 = vector.load %arg0[%get3A_123, %get3A_124] : memref<48x640xf32, #tpu.memory_space<vmem>>, vector<8x256xf32>
    %get3A_126 = arith.constant 16 : index
    %get3A_127 = arith.constant 384 : index
    %get3A_128 = vector.load %arg0[%get3A_126, %get3A_127] : memref<48x640xf32, #tpu.memory_space<vmem>>, vector<8x256xf32>
    %get3A_129 = arith.constant 24 : index
    %get3A_130 = arith.constant 384 : index
    %get3A_131 = vector.load %arg0[%get3A_129, %get3A_130] : memref<48x640xf32, #tpu.memory_space<vmem>>, vector<8x256xf32>
    %get3A_132 = arith.constant 32 : index
    %get3A_133 = arith.constant 384 : index
    %get3A_134 = vector.load %arg0[%get3A_132, %get3A_133] : memref<48x640xf32, #tpu.memory_space<vmem>>, vector<8x256xf32>
    %get3A_135 = arith.constant 0 : index
    %get3A_136 = arith.constant 256 : index
    %get3A_137 = vector.load %arg3[%get3A_135, %get3A_136] : memref<8x640xf32, #tpu.memory_space<vmem>>, vector<8x128xf32>
    %gt3A_138 = arith.constant 0.000000e+00 : f32
    %gt3A_139 = vector.broadcast %gt3A_138 : f32 to vector<8x128xf32>
    %gt3A_140 = arith.cmpf ogt, %get3A_137, %gt3A_139 : vector<8x128xf32>
    %jit3A_141 = arith.constant 1.024000e+03 : f32
    %broadcast_in_dim3A_142 = vector.broadcast %jit3A_141 : f32 to vector<8x128xf32>
    %select_n3A_143 = arith.select %gt3A_140, %convert_element_type3A, %broadcast_in_dim3A_142 : vector<8x128xi1>, vector<8x128xf32>
    %reduce_min3A_144 = vector.shape_cast %select_n3A_143 : vector<8x128xf32> to vector<1x8x128xf32>
    %reduce_min3A_145 = arith.constant dense<0x7F800000> : vector<1xf32>
    %reduce_min3A_146 = vector.multi_reduction <minimumf>, %reduce_min3A_144, %reduce_min3A_145 [1, 2] : vector<1x8x128xf32> to vector<1xf32>
    %reduce_min3A_147 = vector.shape_cast %reduce_min3A_146 : vector<1xf32> to vector<1x1x1xf32>
    %reduce_min3A_148 = vector.extract %reduce_min3A_147[0, 0, 0] : f32 from vector<1x1x1xf32>
    %while3A_149:2 = scf.while (%while3A_241 = %reduce_min3A_148, %while3A_242 = %get3A_137) : (f32, vector<8x128xf32>) -> (f32, vector<8x128xf32>) {
      %lt3A = arith.constant 1.024000e+03 : f32
      %lt3A_243 = arith.cmpf olt, %while3A_241, %lt3A : f32
      scf.condition(%lt3A_243) %while3A_241, %while3A_242 : f32, vector<8x128xf32>
    } do {
    ^bb0(%while3A_241: f32, %while3A_242: vector<8x128xf32>):
      %convert_element_type3A_243 = arith.fptosi %while3A_241 : f32 to i32
      %add3A_244 = arith.constant 2048 : i32
      %add3A_245 = arith.addi %add3A_244, %convert_element_type3A_243 : i32
      %mul3A_246 = arith.constant 5 : i32
      %mul3A_247 = arith.muli %add3A_245, %mul3A_246 : i32
      %get3A_248 = arith.index_cast %mul3A_247 : i32 to index
      %get3A_249 = memref.load %arg1[%get3A_248] : memref<25600xf32, #tpu.memory_space<smem>>
      %add3A_250 = arith.constant 1 : i32
      %add3A_251 = arith.addi %mul3A_247, %add3A_250 : i32
      %get3A_252 = arith.index_cast %add3A_251 : i32 to index
      %get3A_253 = memref.load %arg1[%get3A_252] : memref<25600xf32, #tpu.memory_space<smem>>
      %add3A_254 = arith.constant 2 : i32
      %add3A_255 = arith.addi %mul3A_247, %add3A_254 : i32
      %get3A_256 = arith.index_cast %add3A_255 : i32 to index
      %get3A_257 = memref.load %arg1[%get3A_256] : memref<25600xf32, #tpu.memory_space<smem>>
      %add3A_258 = arith.constant 3 : i32
      %add3A_259 = arith.addi %mul3A_247, %add3A_258 : i32
      %get3A_260 = arith.index_cast %add3A_259 : i32 to index
      %get3A_261 = memref.load %arg1[%get3A_260] : memref<25600xf32, #tpu.memory_space<smem>>
      %add3A_262 = arith.constant 4 : i32
      %add3A_263 = arith.addi %mul3A_247, %add3A_262 : i32
      %get3A_264 = arith.index_cast %add3A_263 : i32 to index
      %get3A_265 = memref.load %arg1[%get3A_264] : memref<25600xf32, #tpu.memory_space<smem>>
      %min3A = vector.broadcast %get3A_257 : f32 to vector<8x128xf32>
      %min3A_266 = arith.minimumf %get3A_113, %min3A : vector<8x128xf32>
      %max3A = vector.broadcast %get3A_249 : f32 to vector<8x128xf32>
      %max3A_267 = arith.maximumf %get3A_107, %max3A : vector<8x128xf32>
      %sub3A = arith.subf %min3A_266, %max3A_267 : vector<8x128xf32>
      %max3A_268 = arith.constant 0.000000e+00 : f32
      %max3A_269 = vector.broadcast %max3A_268 : f32 to vector<8x128xf32>
      %max3A_270 = arith.maximumf %sub3A, %max3A_269 : vector<8x128xf32>
      %min3A_271 = vector.broadcast %get3A_261 : f32 to vector<8x128xf32>
      %min3A_272 = arith.minimumf %get3A_116, %min3A_271 : vector<8x128xf32>
      %max3A_273 = vector.broadcast %get3A_253 : f32 to vector<8x128xf32>
      %max3A_274 = arith.maximumf %get3A_110, %max3A_273 : vector<8x128xf32>
      %sub3A_275 = arith.subf %min3A_272, %max3A_274 : vector<8x128xf32>
      %max3A_276 = arith.constant 0.000000e+00 : f32
      %max3A_277 = vector.broadcast %max3A_276 : f32 to vector<8x128xf32>
      %max3A_278 = arith.maximumf %sub3A_275, %max3A_277 : vector<8x128xf32>
      %mul3A_279 = arith.mulf %max3A_270, %max3A_278 : vector<8x128xf32>
      %add3A_280 = vector.broadcast %get3A_265 : f32 to vector<8x128xf32>
      %add3A_281 = arith.addf %add3A_280, %get3A_119 : vector<8x128xf32>
      %sub3A_282 = arith.subf %add3A_281, %mul3A_279 : vector<8x128xf32>
      %max3A_283 = arith.constant 9.99999971E-10 : f32
      %max3A_284 = vector.broadcast %max3A_283 : f32 to vector<8x128xf32>
      %max3A_285 = arith.maximumf %sub3A_282, %max3A_284 : vector<8x128xf32>
      %div3A = arith.divf %mul3A_279, %max3A_285 : vector<8x128xf32>
      %gt3A_286 = arith.constant 3.000000e-01 : f32
      %gt3A_287 = vector.broadcast %gt3A_286 : f32 to vector<8x128xf32>
      %gt3A_288 = arith.cmpf ogt, %div3A, %gt3A_287 : vector<8x128xf32>
      %gt3A_289 = vector.broadcast %while3A_241 : f32 to vector<8x128xf32>
      %gt3A_290 = arith.cmpf ogt, %convert_element_type3A, %gt3A_289 : vector<8x128xf32>
      %and3A = arith.andi %gt3A_288, %gt3A_290 : vector<8x128xi1>
      %jit3A_291 = arith.constant 0.000000e+00 : f32
      %broadcast_in_dim3A_292 = vector.broadcast %jit3A_291 : f32 to vector<8x128xf32>
      %select_n3A_293 = arith.select %and3A, %broadcast_in_dim3A_292, %while3A_242 : vector<8x128xi1>, vector<8x128xf32>
      %min3A_294 = vector.broadcast %get3A_257 : f32 to vector<8x256xf32>
      %min3A_295 = arith.minimumf %get3A_128, %min3A_294 : vector<8x256xf32>
      %max3A_296 = vector.broadcast %get3A_249 : f32 to vector<8x256xf32>
      %max3A_297 = arith.maximumf %get3A_122, %max3A_296 : vector<8x256xf32>
      %sub3A_298 = arith.subf %min3A_295, %max3A_297 : vector<8x256xf32>
      %max3A_299 = arith.constant 0.000000e+00 : f32
      %max3A_300 = vector.broadcast %max3A_299 : f32 to vector<8x256xf32>
      %max3A_301 = arith.maximumf %sub3A_298, %max3A_300 : vector<8x256xf32>
      %min3A_302 = vector.broadcast %get3A_261 : f32 to vector<8x256xf32>
      %min3A_303 = arith.minimumf %get3A_131, %min3A_302 : vector<8x256xf32>
      %max3A_304 = vector.broadcast %get3A_253 : f32 to vector<8x256xf32>
      %max3A_305 = arith.maximumf %get3A_125, %max3A_304 : vector<8x256xf32>
      %sub3A_306 = arith.subf %min3A_303, %max3A_305 : vector<8x256xf32>
      %max3A_307 = arith.constant 0.000000e+00 : f32
      %max3A_308 = vector.broadcast %max3A_307 : f32 to vector<8x256xf32>
      %max3A_309 = arith.maximumf %sub3A_306, %max3A_308 : vector<8x256xf32>
      %mul3A_310 = arith.mulf %max3A_301, %max3A_309 : vector<8x256xf32>
      %add3A_311 = vector.broadcast %get3A_265 : f32 to vector<8x256xf32>
      %add3A_312 = arith.addf %add3A_311, %get3A_134 : vector<8x256xf32>
      %sub3A_313 = arith.subf %add3A_312, %mul3A_310 : vector<8x256xf32>
      %max3A_314 = arith.constant 9.99999971E-10 : f32
      %max3A_315 = vector.broadcast %max3A_314 : f32 to vector<8x256xf32>
      %max3A_316 = arith.maximumf %sub3A_313, %max3A_315 : vector<8x256xf32>
      %div3A_317 = arith.divf %mul3A_310, %max3A_316 : vector<8x256xf32>
      %gt3A_318 = arith.constant 3.000000e-01 : f32
      %gt3A_319 = vector.broadcast %gt3A_318 : f32 to vector<8x256xf32>
      %gt3A_320 = arith.cmpf ogt, %div3A_317, %gt3A_319 : vector<8x256xf32>
      %get3A_321 = arith.constant 0 : index
      %get3A_322 = arith.constant 384 : index
      %get3A_323 = vector.load %arg3[%get3A_321, %get3A_322] : memref<8x640xf32, #tpu.memory_space<vmem>>, vector<8x256xf32>
      %jit3A_324 = arith.constant 0.000000e+00 : f32
      %broadcast_in_dim3A_325 = vector.broadcast %jit3A_324 : f32 to vector<8x256xf32>
      %select_n3A_326 = arith.select %gt3A_320, %broadcast_in_dim3A_325, %get3A_323 : vector<8x256xi1>, vector<8x256xf32>
      %swap3A_327 = arith.constant 0 : index
      %swap3A_328 = arith.constant 384 : index
      %swap3A_329 = vector.load %arg3[%swap3A_327, %swap3A_328] : memref<8x640xf32, #tpu.memory_space<vmem>>, vector<8x256xf32>
      tpu.vector_store %arg3[%swap3A_327, %swap3A_328], %select_n3A_326 {strides = array<i32>} : memref<8x640xf32, #tpu.memory_space<vmem>>, vector<8x256xf32>,
      %gt3A_330 = arith.constant 0.000000e+00 : f32
      %gt3A_331 = vector.broadcast %gt3A_330 : f32 to vector<8x128xf32>
      %gt3A_332 = arith.cmpf ogt, %select_n3A_293, %gt3A_331 : vector<8x128xf32>
      %gt3A_333 = vector.broadcast %while3A_241 : f32 to vector<8x128xf32>
      %gt3A_334 = arith.cmpf ogt, %convert_element_type3A, %gt3A_333 : vector<8x128xf32>
      %and3A_335 = arith.andi %gt3A_332, %gt3A_334 : vector<8x128xi1>
      %jit3A_336 = arith.constant 1.024000e+03 : f32
      %broadcast_in_dim3A_337 = vector.broadcast %jit3A_336 : f32 to vector<8x128xf32>
      %select_n3A_338 = arith.select %and3A_335, %convert_element_type3A, %broadcast_in_dim3A_337 : vector<8x128xi1>, vector<8x128xf32>
      %reduce_min3A_339 = vector.shape_cast %select_n3A_338 : vector<8x128xf32> to vector<1x8x128xf32>
      %reduce_min3A_340 = arith.constant dense<0x7F800000> : vector<1xf32>
      %reduce_min3A_341 = vector.multi_reduction <minimumf>, %reduce_min3A_339, %reduce_min3A_340 [1, 2] : vector<1x8x128xf32> to vector<1xf32>
      %reduce_min3A_342 = vector.shape_cast %reduce_min3A_341 : vector<1xf32> to vector<1x1x1xf32>
      %reduce_min3A_343 = vector.extract %reduce_min3A_342[0, 0, 0] : f32 from vector<1x1x1xf32>
      scf.yield %reduce_min3A_343, %select_n3A_293 : f32, vector<8x128xf32>
    }
    %swap3A_150 = arith.constant 0 : index
    %swap3A_151 = arith.constant 256 : index
    %swap3A_152 = vector.load %arg3[%swap3A_150, %swap3A_151] : memref<8x640xf32, #tpu.memory_space<vmem>>, vector<8x128xf32>
    tpu.vector_store %arg3[%swap3A_150, %swap3A_151], %while3A_149#1 {strides = array<i32>} : memref<8x640xf32, #tpu.memory_space<vmem>>, vector<8x128xf32>,
    %get3A_153 = arith.constant 0 : index
    %get3A_154 = arith.constant 384 : index
    %get3A_155 = vector.load %arg0[%get3A_153, %get3A_154] : memref<48x640xf32, #tpu.memory_space<vmem>>, vector<8x128xf32>
    %get3A_156 = arith.constant 8 : index
    %get3A_157 = arith.constant 384 : index
    %get3A_158 = vector.load %arg0[%get3A_156, %get3A_157] : memref<48x640xf32, #tpu.memory_space<vmem>>, vector<8x128xf32>
    %get3A_159 = arith.constant 16 : index
    %get3A_160 = arith.constant 384 : index
    %get3A_161 = vector.load %arg0[%get3A_159, %get3A_160] : memref<48x640xf32, #tpu.memory_space<vmem>>, vector<8x128xf32>
    %get3A_162 = arith.constant 24 : index
    %get3A_163 = arith.constant 384 : index
    %get3A_164 = vector.load %arg0[%get3A_162, %get3A_163] : memref<48x640xf32, #tpu.memory_space<vmem>>, vector<8x128xf32>
    %get3A_165 = arith.constant 32 : index
    %get3A_166 = arith.constant 384 : index
    %get3A_167 = vector.load %arg0[%get3A_165, %get3A_166] : memref<48x640xf32, #tpu.memory_space<vmem>>, vector<8x128xf32>
    %get3A_168 = arith.constant 0 : index
    %get3A_169 = arith.constant 512 : index
    %get3A_170 = vector.load %arg0[%get3A_168, %get3A_169] : memref<48x640xf32, #tpu.memory_space<vmem>>, vector<8x128xf32>
    %get3A_171 = arith.constant 8 : index
    %get3A_172 = arith.constant 512 : index
    %get3A_173 = vector.load %arg0[%get3A_171, %get3A_172] : memref<48x640xf32, #tpu.memory_space<vmem>>, vector<8x128xf32>
    %get3A_174 = arith.constant 16 : index
    %get3A_175 = arith.constant 512 : index
    %get3A_176 = vector.load %arg0[%get3A_174, %get3A_175] : memref<48x640xf32, #tpu.memory_space<vmem>>, vector<8x128xf32>
    %get3A_177 = arith.constant 24 : index
    %get3A_178 = arith.constant 512 : index
    %get3A_179 = vector.load %arg0[%get3A_177, %get3A_178] : memref<48x640xf32, #tpu.memory_space<vmem>>, vector<8x128xf32>
    %get3A_180 = arith.constant 32 : index
    %get3A_181 = arith.constant 512 : index
    %get3A_182 = vector.load %arg0[%get3A_180, %get3A_181] : memref<48x640xf32, #tpu.memory_space<vmem>>, vector<8x128xf32>
    %get3A_183 = arith.constant 0 : index
    %get3A_184 = arith.constant 384 : index
    %get3A_185 = vector.load %arg3[%get3A_183, %get3A_184] : memref<8x640xf32, #tpu.memory_space<vmem>>, vector<8x128xf32>
    %gt3A_186 = arith.constant 0.000000e+00 : f32
    %gt3A_187 = vector.broadcast %gt3A_186 : f32 to vector<8x128xf32>
    %gt3A_188 = arith.cmpf ogt, %get3A_185, %gt3A_187 : vector<8x128xf32>
    %jit3A_189 = arith.constant 1.024000e+03 : f32
    %broadcast_in_dim3A_190 = vector.broadcast %jit3A_189 : f32 to vector<8x128xf32>
    %select_n3A_191 = arith.select %gt3A_188, %convert_element_type3A, %broadcast_in_dim3A_190 : vector<8x128xi1>, vector<8x128xf32>
    %reduce_min3A_192 = vector.shape_cast %select_n3A_191 : vector<8x128xf32> to vector<1x8x128xf32>
    %reduce_min3A_193 = arith.constant dense<0x7F800000> : vector<1xf32>
    %reduce_min3A_194 = vector.multi_reduction <minimumf>, %reduce_min3A_192, %reduce_min3A_193 [1, 2] : vector<1x8x128xf32> to vector<1xf32>
    %reduce_min3A_195 = vector.shape_cast %reduce_min3A_194 : vector<1xf32> to vector<1x1x1xf32>
    %reduce_min3A_196 = vector.extract %reduce_min3A_195[0, 0, 0] : f32 from vector<1x1x1xf32>
    %while3A_197:2 = scf.while (%while3A_241 = %reduce_min3A_196, %while3A_242 = %get3A_185) : (f32, vector<8x128xf32>) -> (f32, vector<8x128xf32>) {
      %lt3A = arith.constant 1.024000e+03 : f32
      %lt3A_243 = arith.cmpf olt, %while3A_241, %lt3A : f32
      scf.condition(%lt3A_243) %while3A_241, %while3A_242 : f32, vector<8x128xf32>
    } do {
    ^bb0(%while3A_241: f32, %while3A_242: vector<8x128xf32>):
      %convert_element_type3A_243 = arith.fptosi %while3A_241 : f32 to i32
      %add3A_244 = arith.constant 3072 : i32
      %add3A_245 = arith.addi %add3A_244, %convert_element_type3A_243 : i32
      %mul3A_246 = arith.constant 5 : i32
      %mul3A_247 = arith.muli %add3A_245, %mul3A_246 : i32
      %get3A_248 = arith.index_cast %mul3A_247 : i32 to index
      %get3A_249 = memref.load %arg1[%get3A_248] : memref<25600xf32, #tpu.memory_space<smem>>
      %add3A_250 = arith.constant 1 : i32
      %add3A_251 = arith.addi %mul3A_247, %add3A_250 : i32
      %get3A_252 = arith.index_cast %add3A_251 : i32 to index
      %get3A_253 = memref.load %arg1[%get3A_252] : memref<25600xf32, #tpu.memory_space<smem>>
      %add3A_254 = arith.constant 2 : i32
      %add3A_255 = arith.addi %mul3A_247, %add3A_254 : i32
      %get3A_256 = arith.index_cast %add3A_255 : i32 to index
      %get3A_257 = memref.load %arg1[%get3A_256] : memref<25600xf32, #tpu.memory_space<smem>>
      %add3A_258 = arith.constant 3 : i32
      %add3A_259 = arith.addi %mul3A_247, %add3A_258 : i32
      %get3A_260 = arith.index_cast %add3A_259 : i32 to index
      %get3A_261 = memref.load %arg1[%get3A_260] : memref<25600xf32, #tpu.memory_space<smem>>
      %add3A_262 = arith.constant 4 : i32
      %add3A_263 = arith.addi %mul3A_247, %add3A_262 : i32
      %get3A_264 = arith.index_cast %add3A_263 : i32 to index
      %get3A_265 = memref.load %arg1[%get3A_264] : memref<25600xf32, #tpu.memory_space<smem>>
      %min3A = vector.broadcast %get3A_257 : f32 to vector<8x128xf32>
      %min3A_266 = arith.minimumf %get3A_161, %min3A : vector<8x128xf32>
      %max3A = vector.broadcast %get3A_249 : f32 to vector<8x128xf32>
      %max3A_267 = arith.maximumf %get3A_155, %max3A : vector<8x128xf32>
      %sub3A = arith.subf %min3A_266, %max3A_267 : vector<8x128xf32>
      %max3A_268 = arith.constant 0.000000e+00 : f32
      %max3A_269 = vector.broadcast %max3A_268 : f32 to vector<8x128xf32>
      %max3A_270 = arith.maximumf %sub3A, %max3A_269 : vector<8x128xf32>
      %min3A_271 = vector.broadcast %get3A_261 : f32 to vector<8x128xf32>
      %min3A_272 = arith.minimumf %get3A_164, %min3A_271 : vector<8x128xf32>
      %max3A_273 = vector.broadcast %get3A_253 : f32 to vector<8x128xf32>
      %max3A_274 = arith.maximumf %get3A_158, %max3A_273 : vector<8x128xf32>
      %sub3A_275 = arith.subf %min3A_272, %max3A_274 : vector<8x128xf32>
      %max3A_276 = arith.constant 0.000000e+00 : f32
      %max3A_277 = vector.broadcast %max3A_276 : f32 to vector<8x128xf32>
      %max3A_278 = arith.maximumf %sub3A_275, %max3A_277 : vector<8x128xf32>
      %mul3A_279 = arith.mulf %max3A_270, %max3A_278 : vector<8x128xf32>
      %add3A_280 = vector.broadcast %get3A_265 : f32 to vector<8x128xf32>
      %add3A_281 = arith.addf %add3A_280, %get3A_167 : vector<8x128xf32>
      %sub3A_282 = arith.subf %add3A_281, %mul3A_279 : vector<8x128xf32>
      %max3A_283 = arith.constant 9.99999971E-10 : f32
      %max3A_284 = vector.broadcast %max3A_283 : f32 to vector<8x128xf32>
      %max3A_285 = arith.maximumf %sub3A_282, %max3A_284 : vector<8x128xf32>
      %div3A = arith.divf %mul3A_279, %max3A_285 : vector<8x128xf32>
      %gt3A_286 = arith.constant 3.000000e-01 : f32
      %gt3A_287 = vector.broadcast %gt3A_286 : f32 to vector<8x128xf32>
      %gt3A_288 = arith.cmpf ogt, %div3A, %gt3A_287 : vector<8x128xf32>
      %gt3A_289 = vector.broadcast %while3A_241 : f32 to vector<8x128xf32>
      %gt3A_290 = arith.cmpf ogt, %convert_element_type3A, %gt3A_289 : vector<8x128xf32>
      %and3A = arith.andi %gt3A_288, %gt3A_290 : vector<8x128xi1>
      %jit3A_291 = arith.constant 0.000000e+00 : f32
      %broadcast_in_dim3A_292 = vector.broadcast %jit3A_291 : f32 to vector<8x128xf32>
      %select_n3A_293 = arith.select %and3A, %broadcast_in_dim3A_292, %while3A_242 : vector<8x128xi1>, vector<8x128xf32>
      %min3A_294 = vector.broadcast %get3A_257 : f32 to vector<8x128xf32>
      %min3A_295 = arith.minimumf %get3A_176, %min3A_294 : vector<8x128xf32>
      %max3A_296 = vector.broadcast %get3A_249 : f32 to vector<8x128xf32>
      %max3A_297 = arith.maximumf %get3A_170, %max3A_296 : vector<8x128xf32>
      %sub3A_298 = arith.subf %min3A_295, %max3A_297 : vector<8x128xf32>
      %max3A_299 = arith.constant 0.000000e+00 : f32
      %max3A_300 = vector.broadcast %max3A_299 : f32 to vector<8x128xf32>
      %max3A_301 = arith.maximumf %sub3A_298, %max3A_300 : vector<8x128xf32>
      %min3A_302 = vector.broadcast %get3A_261 : f32 to vector<8x128xf32>
      %min3A_303 = arith.minimumf %get3A_179, %min3A_302 : vector<8x128xf32>
      %max3A_304 = vector.broadcast %get3A_253 : f32 to vector<8x128xf32>
      %max3A_305 = arith.maximumf %get3A_173, %max3A_304 : vector<8x128xf32>
      %sub3A_306 = arith.subf %min3A_303, %max3A_305 : vector<8x128xf32>
      %max3A_307 = arith.constant 0.000000e+00 : f32
      %max3A_308 = vector.broadcast %max3A_307 : f32 to vector<8x128xf32>
      %max3A_309 = arith.maximumf %sub3A_306, %max3A_308 : vector<8x128xf32>
      %mul3A_310 = arith.mulf %max3A_301, %max3A_309 : vector<8x128xf32>
      %add3A_311 = vector.broadcast %get3A_265 : f32 to vector<8x128xf32>
      %add3A_312 = arith.addf %add3A_311, %get3A_182 : vector<8x128xf32>
      %sub3A_313 = arith.subf %add3A_312, %mul3A_310 : vector<8x128xf32>
      %max3A_314 = arith.constant 9.99999971E-10 : f32
      %max3A_315 = vector.broadcast %max3A_314 : f32 to vector<8x128xf32>
      %max3A_316 = arith.maximumf %sub3A_313, %max3A_315 : vector<8x128xf32>
      %div3A_317 = arith.divf %mul3A_310, %max3A_316 : vector<8x128xf32>
      %gt3A_318 = arith.constant 3.000000e-01 : f32
      %gt3A_319 = vector.broadcast %gt3A_318 : f32 to vector<8x128xf32>
      %gt3A_320 = arith.cmpf ogt, %div3A_317, %gt3A_319 : vector<8x128xf32>
      %get3A_321 = arith.constant 0 : index
      %get3A_322 = arith.constant 512 : index
      %get3A_323 = vector.load %arg3[%get3A_321, %get3A_322] : memref<8x640xf32, #tpu.memory_space<vmem>>, vector<8x128xf32>
      %jit3A_324 = arith.constant 0.000000e+00 : f32
      %broadcast_in_dim3A_325 = vector.broadcast %jit3A_324 : f32 to vector<8x128xf32>
      %select_n3A_326 = arith.select %gt3A_320, %broadcast_in_dim3A_325, %get3A_323 : vector<8x128xi1>, vector<8x128xf32>
      %swap3A_327 = arith.constant 0 : index
      %swap3A_328 = arith.constant 512 : index
      %swap3A_329 = vector.load %arg3[%swap3A_327, %swap3A_328] : memref<8x640xf32, #tpu.memory_space<vmem>>, vector<8x128xf32>
      tpu.vector_store %arg3[%swap3A_327, %swap3A_328], %select_n3A_326 {strides = array<i32>} : memref<8x640xf32, #tpu.memory_space<vmem>>, vector<8x128xf32>,
      %gt3A_330 = arith.constant 0.000000e+00 : f32
      %gt3A_331 = vector.broadcast %gt3A_330 : f32 to vector<8x128xf32>
      %gt3A_332 = arith.cmpf ogt, %select_n3A_293, %gt3A_331 : vector<8x128xf32>
      %gt3A_333 = vector.broadcast %while3A_241 : f32 to vector<8x128xf32>
      %gt3A_334 = arith.cmpf ogt, %convert_element_type3A, %gt3A_333 : vector<8x128xf32>
      %and3A_335 = arith.andi %gt3A_332, %gt3A_334 : vector<8x128xi1>
      %jit3A_336 = arith.constant 1.024000e+03 : f32
      %broadcast_in_dim3A_337 = vector.broadcast %jit3A_336 : f32 to vector<8x128xf32>
      %select_n3A_338 = arith.select %and3A_335, %convert_element_type3A, %broadcast_in_dim3A_337 : vector<8x128xi1>, vector<8x128xf32>
      %reduce_min3A_339 = vector.shape_cast %select_n3A_338 : vector<8x128xf32> to vector<1x8x128xf32>
      %reduce_min3A_340 = arith.constant dense<0x7F800000> : vector<1xf32>
      %reduce_min3A_341 = vector.multi_reduction <minimumf>, %reduce_min3A_339, %reduce_min3A_340 [1, 2] : vector<1x8x128xf32> to vector<1xf32>
      %reduce_min3A_342 = vector.shape_cast %reduce_min3A_341 : vector<1xf32> to vector<1x1x1xf32>
      %reduce_min3A_343 = vector.extract %reduce_min3A_342[0, 0, 0] : f32 from vector<1x1x1xf32>
      scf.yield %reduce_min3A_343, %select_n3A_293 : f32, vector<8x128xf32>
    }
    %swap3A_198 = arith.constant 0 : index
    %swap3A_199 = arith.constant 384 : index
    %swap3A_200 = vector.load %arg3[%swap3A_198, %swap3A_199] : memref<8x640xf32, #tpu.memory_space<vmem>>, vector<8x128xf32>
    tpu.vector_store %arg3[%swap3A_198, %swap3A_199], %while3A_197#1 {strides = array<i32>} : memref<8x640xf32, #tpu.memory_space<vmem>>, vector<8x128xf32>,
    %get3A_201 = arith.constant 0 : index
    %get3A_202 = arith.constant 512 : index
    %get3A_203 = vector.load %arg0[%get3A_201, %get3A_202] : memref<48x640xf32, #tpu.memory_space<vmem>>, vector<8x128xf32>
    %get3A_204 = arith.constant 8 : index
    %get3A_205 = arith.constant 512 : index
    %get3A_206 = vector.load %arg0[%get3A_204, %get3A_205] : memref<48x640xf32, #tpu.memory_space<vmem>>, vector<8x128xf32>
    %get3A_207 = arith.constant 16 : index
    %get3A_208 = arith.constant 512 : index
    %get3A_209 = vector.load %arg0[%get3A_207, %get3A_208] : memref<48x640xf32, #tpu.memory_space<vmem>>, vector<8x128xf32>
    %get3A_210 = arith.constant 24 : index
    %get3A_211 = arith.constant 512 : index
    %get3A_212 = vector.load %arg0[%get3A_210, %get3A_211] : memref<48x640xf32, #tpu.memory_space<vmem>>, vector<8x128xf32>
    %get3A_213 = arith.constant 32 : index
    %get3A_214 = arith.constant 512 : index
    %get3A_215 = vector.load %arg0[%get3A_213, %get3A_214] : memref<48x640xf32, #tpu.memory_space<vmem>>, vector<8x128xf32>
    %get3A_216 = arith.constant 0 : index
    %get3A_217 = arith.constant 512 : index
    %get3A_218 = vector.load %arg3[%get3A_216, %get3A_217] : memref<8x640xf32, #tpu.memory_space<vmem>>, vector<8x128xf32>
    %gt3A_219 = arith.constant 0.000000e+00 : f32
    %gt3A_220 = vector.broadcast %gt3A_219 : f32 to vector<8x128xf32>
    %gt3A_221 = arith.cmpf ogt, %get3A_218, %gt3A_220 : vector<8x128xf32>
    %jit3A_222 = arith.constant 1.024000e+03 : f32
    %broadcast_in_dim3A_223 = vector.broadcast %jit3A_222 : f32 to vector<8x128xf32>
    %select_n3A_224 = arith.select %gt3A_221, %convert_element_type3A, %broadcast_in_dim3A_223 : vector<8x128xi1>, vector<8x128xf32>
    %reduce_min3A_225 = vector.shape_cast %select_n3A_224 : vector<8x128xf32> to vector<1x8x128xf32>
    %reduce_min3A_226 = arith.constant dense<0x7F800000> : vector<1xf32>
    %reduce_min3A_227 = vector.multi_reduction <minimumf>, %reduce_min3A_225, %reduce_min3A_226 [1, 2] : vector<1x8x128xf32> to vector<1xf32>
    %reduce_min3A_228 = vector.shape_cast %reduce_min3A_227 : vector<1xf32> to vector<1x1x1xf32>
    %reduce_min3A_229 = vector.extract %reduce_min3A_228[0, 0, 0] : f32 from vector<1x1x1xf32>
    %while3A_230:2 = scf.while (%while3A_241 = %reduce_min3A_229, %while3A_242 = %get3A_218) : (f32, vector<8x128xf32>) -> (f32, vector<8x128xf32>) {
      %lt3A = arith.constant 1.024000e+03 : f32
      %lt3A_243 = arith.cmpf olt, %while3A_241, %lt3A : f32
      scf.condition(%lt3A_243) %while3A_241, %while3A_242 : f32, vector<8x128xf32>
    } do {
    ^bb0(%while3A_241: f32, %while3A_242: vector<8x128xf32>):
      %convert_element_type3A_243 = arith.fptosi %while3A_241 : f32 to i32
      %add3A_244 = arith.constant 4096 : i32
      %add3A_245 = arith.addi %add3A_244, %convert_element_type3A_243 : i32
      %mul3A_246 = arith.constant 5 : i32
      %mul3A_247 = arith.muli %add3A_245, %mul3A_246 : i32
      %get3A_248 = arith.index_cast %mul3A_247 : i32 to index
      %get3A_249 = memref.load %arg1[%get3A_248] : memref<25600xf32, #tpu.memory_space<smem>>
      %add3A_250 = arith.constant 1 : i32
      %add3A_251 = arith.addi %mul3A_247, %add3A_250 : i32
      %get3A_252 = arith.index_cast %add3A_251 : i32 to index
      %get3A_253 = memref.load %arg1[%get3A_252] : memref<25600xf32, #tpu.memory_space<smem>>
      %add3A_254 = arith.constant 2 : i32
      %add3A_255 = arith.addi %mul3A_247, %add3A_254 : i32
      %get3A_256 = arith.index_cast %add3A_255 : i32 to index
      %get3A_257 = memref.load %arg1[%get3A_256] : memref<25600xf32, #tpu.memory_space<smem>>
      %add3A_258 = arith.constant 3 : i32
      %add3A_259 = arith.addi %mul3A_247, %add3A_258 : i32
      %get3A_260 = arith.index_cast %add3A_259 : i32 to index
      %get3A_261 = memref.load %arg1[%get3A_260] : memref<25600xf32, #tpu.memory_space<smem>>
      %add3A_262 = arith.constant 4 : i32
      %add3A_263 = arith.addi %mul3A_247, %add3A_262 : i32
      %get3A_264 = arith.index_cast %add3A_263 : i32 to index
      %get3A_265 = memref.load %arg1[%get3A_264] : memref<25600xf32, #tpu.memory_space<smem>>
      %min3A = vector.broadcast %get3A_257 : f32 to vector<8x128xf32>
      %min3A_266 = arith.minimumf %get3A_209, %min3A : vector<8x128xf32>
      %max3A = vector.broadcast %get3A_249 : f32 to vector<8x128xf32>
      %max3A_267 = arith.maximumf %get3A_203, %max3A : vector<8x128xf32>
      %sub3A = arith.subf %min3A_266, %max3A_267 : vector<8x128xf32>
      %max3A_268 = arith.constant 0.000000e+00 : f32
      %max3A_269 = vector.broadcast %max3A_268 : f32 to vector<8x128xf32>
      %max3A_270 = arith.maximumf %sub3A, %max3A_269 : vector<8x128xf32>
      %min3A_271 = vector.broadcast %get3A_261 : f32 to vector<8x128xf32>
      %min3A_272 = arith.minimumf %get3A_212, %min3A_271 : vector<8x128xf32>
      %max3A_273 = vector.broadcast %get3A_253 : f32 to vector<8x128xf32>
      %max3A_274 = arith.maximumf %get3A_206, %max3A_273 : vector<8x128xf32>
      %sub3A_275 = arith.subf %min3A_272, %max3A_274 : vector<8x128xf32>
      %max3A_276 = arith.constant 0.000000e+00 : f32
      %max3A_277 = vector.broadcast %max3A_276 : f32 to vector<8x128xf32>
      %max3A_278 = arith.maximumf %sub3A_275, %max3A_277 : vector<8x128xf32>
      %mul3A_279 = arith.mulf %max3A_270, %max3A_278 : vector<8x128xf32>
      %add3A_280 = vector.broadcast %get3A_265 : f32 to vector<8x128xf32>
      %add3A_281 = arith.addf %add3A_280, %get3A_215 : vector<8x128xf32>
      %sub3A_282 = arith.subf %add3A_281, %mul3A_279 : vector<8x128xf32>
      %max3A_283 = arith.constant 9.99999971E-10 : f32
      %max3A_284 = vector.broadcast %max3A_283 : f32 to vector<8x128xf32>
      %max3A_285 = arith.maximumf %sub3A_282, %max3A_284 : vector<8x128xf32>
      %div3A = arith.divf %mul3A_279, %max3A_285 : vector<8x128xf32>
      %gt3A_286 = arith.constant 3.000000e-01 : f32
      %gt3A_287 = vector.broadcast %gt3A_286 : f32 to vector<8x128xf32>
      %gt3A_288 = arith.cmpf ogt, %div3A, %gt3A_287 : vector<8x128xf32>
      %gt3A_289 = vector.broadcast %while3A_241 : f32 to vector<8x128xf32>
      %gt3A_290 = arith.cmpf ogt, %convert_element_type3A, %gt3A_289 : vector<8x128xf32>
      %and3A = arith.andi %gt3A_288, %gt3A_290 : vector<8x128xi1>
      %jit3A_291 = arith.constant 0.000000e+00 : f32
      %broadcast_in_dim3A_292 = vector.broadcast %jit3A_291 : f32 to vector<8x128xf32>
      %select_n3A_293 = arith.select %and3A, %broadcast_in_dim3A_292, %while3A_242 : vector<8x128xi1>, vector<8x128xf32>
      %gt3A_294 = arith.constant 0.000000e+00 : f32
      %gt3A_295 = vector.broadcast %gt3A_294 : f32 to vector<8x128xf32>
      %gt3A_296 = arith.cmpf ogt, %select_n3A_293, %gt3A_295 : vector<8x128xf32>
      %gt3A_297 = vector.broadcast %while3A_241 : f32 to vector<8x128xf32>
      %gt3A_298 = arith.cmpf ogt, %convert_element_type3A, %gt3A_297 : vector<8x128xf32>
      %and3A_299 = arith.andi %gt3A_296, %gt3A_298 : vector<8x128xi1>
      %jit3A_300 = arith.constant 1.024000e+03 : f32
      %broadcast_in_dim3A_301 = vector.broadcast %jit3A_300 : f32 to vector<8x128xf32>
      %select_n3A_302 = arith.select %and3A_299, %convert_element_type3A, %broadcast_in_dim3A_301 : vector<8x128xi1>, vector<8x128xf32>
      %reduce_min3A_303 = vector.shape_cast %select_n3A_302 : vector<8x128xf32> to vector<1x8x128xf32>
      %reduce_min3A_304 = arith.constant dense<0x7F800000> : vector<1xf32>
      %reduce_min3A_305 = vector.multi_reduction <minimumf>, %reduce_min3A_303, %reduce_min3A_304 [1, 2] : vector<1x8x128xf32> to vector<1xf32>
      %reduce_min3A_306 = vector.shape_cast %reduce_min3A_305 : vector<1xf32> to vector<1x1x1xf32>
      %reduce_min3A_307 = vector.extract %reduce_min3A_306[0, 0, 0] : f32 from vector<1x1x1xf32>
      scf.yield %reduce_min3A_307, %select_n3A_293 : f32, vector<8x128xf32>
    }
    %swap3A_231 = arith.constant 0 : index
    %swap3A_232 = arith.constant 512 : index
    %swap3A_233 = vector.load %arg3[%swap3A_231, %swap3A_232] : memref<8x640xf32, #tpu.memory_space<vmem>>, vector<8x128xf32>
    tpu.vector_store %arg3[%swap3A_231, %swap3A_232], %while3A_230#1 {strides = array<i32>} : memref<8x640xf32, #tpu.memory_space<vmem>>, vector<8x128xf32>,
    %get3A_234 = arith.constant 0 : index
    %get3A_235 = arith.constant 0 : index
    %get3A_236 = vector.load %arg3[%get3A_234, %get3A_235] : memref<8x640xf32, #tpu.memory_space<vmem>>, vector<8x640xf32>
    %mul3A_237 = arith.mulf %get3A_236, %get3A_1 : vector<8x640xf32>
    %swap3A_238 = arith.constant 0 : index
    %swap3A_239 = arith.constant 0 : index
    %swap3A_240 = vector.load %arg2[%swap3A_238, %swap3A_239] : memref<8x640xf32, #tpu.memory_space<vmem>>, vector<8x640xf32>
    tpu.vector_store %arg2[%swap3A_238, %swap3A_239], %mul3A_237 {strides = array<i32>} : memref<8x640xf32, #tpu.memory_space<vmem>>, vector<8x640xf32>,
    return
  }
}

</mosaic_0001>

<sc_bundles>
// kernel: gather_offload_async_start.1
scs
__scs_entry_jumppad:
0x0: {  	(pc) =	sbr.rel $0x88, $3  }
0x1: {  	(tag) =	ssettag $0x0;
	lr =	simm.s32 $0x1  }
0x2: {  	[smem:$0x3F9F] =	sst lr;
	_ =	strace $0xD0000000  }
0x3: {  	_ = 	snop  }
0x4: {  	_ = 	snop  }
0x5: {  	_ = 	snop  }
0x6: {  	_ = 	snop  }
0x7: {  	_ = 	snop  }
__scs_overlays_trampoline_lowered:
0x8: {  	[smem:$0x3FAE] =	sst s0  }
0x9: {  	[smem:$0x3FAF] =	sst s1  }
0xa: {  	[smem:$0x3FB0] =	sst s2  }
0xb: {  	[smem:$0x3FB1] =	sst s3  }
0xc: {  	[smem:$0x3FB2] =	sst s4  }
0xd: {  	[smem:$0x3FB3] =	sst s5  }
0xe: {  	[smem:$0x3FB4] =	sst s6  }
0xf: {  	[smem:$0x3FB5] =	sst s7  }
0x10: {  	[smem:$0x3FB6] =	sst s8  }
0x11: {  	[smem:$0x3FB7] =	sst s9;
	s0 =	simm.s32 @!p0 $0x0  }
0x12: {  	s1 =	sld [smem:$0x3F9D];
	s0 =	simm.s32 @p0 $0x1  }
0x13: {  	[smem:$0x3FB8] =	sst s0;
	s0 =	simm.s32 @!p1 $0x0  }
0x14: {  	s2 =	sld [smem:$0x3F9C];
	s0 =	simm.s32 @p1 $0x1  }
0x15: {  	[smem:$0x3FB9] =	sst s0;
	s0 =	simm.s32 @!p2 $0x0  }
0x16: {  	s3 =	sld [smem:$0x3FDB];
	s0 =	simm.s32 @p2 $0x1  }
0x17: {  	s4 =	simm.s32 $0x1BF5;
	[smem:$0x3FBB] =	sst s0  }
0x18: {  	s0 =	sld [smem:$0x3F9E];
	_ =	swait.ge [sflag:s4], $0x0  }
0x19: {  	s7 =	sld [smem:$0x3F9F]  }
0x1a: {  	s8 =	sadd.s32 $0xFFFFE003, lr  }
0x1b: {  	s9 =	sadd.s32 $0xFFFFFEF7, lr;
	s5 =	simm.s32 $0xFFFFFFFF;
	p2 =	slt.u32 s8, $0xFFFFF086  }
0x1c: {  	p1 =	slt.u32 s9, $0xF7A;
	s5 =	simm.s32 @!p2 $0x0  }
0x1d: {  	s5 =	simm.s32 @p1 $0x1;
	p0 =	seq.s32 s7, s2  }
0x1e: {  	s7 =	smul.u32 @!p0 $0xF7A, s2;
	p2 =	seq.s32 @!p0 s5, $0x0  }
0x1f: {  	s9 =	smul.u32 $0xF7A, s1;
	s8 =	simm.s32 @!p0 $0x1BF5;
	p2 =	por !p2, p0  }
0x20: {  	[sflag:s8] =	ssyncset.s32 @!p0 $0xFFFFF086;
	s6 =	sadd.s32 @!p0 s3, s7;
	s7 =	simm.s32 @!p0 $0x108  }
0x21: {  	s3 =	sadd.s32 s3, s9;
	s6 =	sadd.s32 @!p0 $0x88, s6;
	s7 =	simm.s32 @p2 $0x1082  }
0x22: {  	[simem:s7], [sflag:s8] =	dma.local @!p0 [hbm:s6], $0xF7A  }
0x23: {  	s9 =	sor.u32 $0xD0000000, s2;
	s6 =	simm.s32 $0x108;
	_ =	swait.ge @!p0 [sflag:s8], $0x0  }
0x24: {  	s3 =	sadd.s32 $0x88, s3;
	s6 =	simm.s32 @!p1 $0x1082;
	[sflag:s4] =	ssyncset.s32 $0xFFFFF086  }
0x25: {  	[simem:s6], [sflag:s4] =	dma.local [hbm:s3], $0xF7A  }
0x26: {  	[smem:$0x3F9F] =	sst s1;
	(tag) =	ssettag s2;
	_ =	strace s9  }
0x27: {  	s1 =	sld [smem:$0x3FAF]  }
0x28: {  	s2 =	sld [smem:$0x3FB0]  }
0x29: {  	s4 =	sld [smem:$0x3FB2]  }
0x2a: {  	p0 =	seq.s32 s5, $0x0;
	s5 =	sld [smem:$0x3FB3]  }
0x2b: {  	s6 =	sld [smem:$0x3FB4]  }
0x2c: {  	s7 =	sld [smem:$0x3FB5]  }
0x2d: {  	s3 =	simm.s32 $0x108;
	s8 =	sld [smem:$0x3FB6]  }
0x2e: {  	s3 =	simm.s32 @!p0 $0x1082;
	s9 =	sld [smem:$0x3FB7]  }
0x2f: {  	lr =	sadd.s32 s0, s3;
	s0 =	sld [smem:$0x3FAE]  }
0x30: {  	s3 =	sld [smem:$0x3FB1]  }
0x31: {  	[smem:$0x3FBA] =	sst s10  }
0x32: {  	s10 =	sld [smem:$0x3FB8];
	_ =	sdelay $0x3  }
0x33: {  	p0 =	seq.s32 s10, $0x1;
	s10 =	sld [smem:$0x3FBA];
	_ =	sdelay $0x3  }
0x34: {  	[smem:$0x3FBA] =	sst s10  }
0x35: {  	s10 =	sld [smem:$0x3FB9];
	_ =	sdelay $0x3  }
0x36: {  	p1 =	seq.s32 s10, $0x1;
	s10 =	sld [smem:$0x3FBA];
	_ =	sdelay $0x3  }
0x37: {  	[smem:$0x3FBA] =	sst s10  }
0x38: {  	s10 =	sld [smem:$0x3FBB]  }
0x39: {  	_ = 	snop;
	(pc) =	sbr.ind lr, $3  }
0x3a: {  	_ = 	snop  }
0x3b: {  	_ = 	snop  }
0x3c: {  	p2 =	seq.s32 s10, $0x1;
	s10 =	sld [smem:$0x3FBA]  }
0x3d: {  	_ =	shalt  }
0x3e: {  	_ =	shalt  }
0x3f: {  	_ =	shalt  }
0x40: {  	_ =	shalt  }
0x41: {  	_ =	shalt  }
0x42: {  	_ =	shalt  }
0x43: {  	_ =	shalt  }
0x44: {  	_ =	shalt  }
0x45: {  	_ =	shalt  }
0x46: {  	_ =	shalt  }
0x47: {  	_ =	shalt  }
0x48: {  	_ =	shalt  }
0x49: {  	_ =	shalt  }
0x4a: {  	_ =	shalt  }
0x4b: {  	_ =	shalt  }
0x4c: {  	_ =	shalt  }
0x4d: {  	_ =	shalt  }
0x4e: {  	_ =	shalt  }
0x4f: {  	_ =	shalt  }
0x50: {  	_ =	shalt  }
0x51: {  	_ =	shalt  }
0x52: {  	_ =	shalt  }
0x53: {  	_ =	shalt  }
0x54: {  	_ =	shalt  }
0x55: {  	_ =	shalt  }
0x56: {  	_ =	shalt  }
0x57: {  	_ =	shalt  }
0x58: {  	_ =	shalt  }
0x59: {  	_ =	shalt  }
0x5a: {  	_ =	shalt  }
0x5b: {  	_ =	shalt  }
0x5c: {  	_ =	shalt  }
0x5d: {  	_ =	shalt  }
0x5e: {  	_ =	shalt  }
0x5f: {  	_ =	shalt  }
0x60: {  	_ =	shalt  }
0x61: {  	_ =	shalt  }
0x62: {  	_ =	shalt  }
0x63: {  	_ =	shalt  }
0x64: {  	_ =	shalt  }
0x65: {  	_ =	shalt  }
0x66: {  	_ =	shalt  }
0x67: {  	_ =	shalt  }
0x68: {  	_ =	shalt  }
0x69: {  	_ =	shalt  }
0x6a: {  	_ =	shalt  }
0x6b: {  	_ =	shalt  }
0x6c: {  	_ =	shalt  }
0x6d: {  	_ =	shalt  }
0x6e: {  	_ =	shalt  }
0x6f: {  	_ =	shalt  }
0x70: {  	_ =	shalt  }
0x71: {  	_ =	shalt  }
0x72: {  	_ =	shalt  }
0x73: {  	_ =	shalt  }
0x74: {  	_ =	shalt  }
0x75: {  	_ =	shalt  }
0x76: {  	_ =	shalt  }
0x77: {  	_ =	shalt  }
0x78: {  	_ =	shalt  }
0x79: {  	_ =	shalt  }
0x7a: {  	_ =	shalt  }
0x7b: {  	_ =	shalt  }
0x7c: {  	_ =	shalt  }
0x7d: {  	_ =	shalt  }
0x7e: {  	_ =	shalt  }
0x7f: {  	_ =	shalt  }
0x80: {  	_ =	shalt  }
0x81: {  	_ =	shalt  }
0x82: {  	_ =	shalt  }
0x83: {  	_ =	shalt  }
0x84: {  	_ =	shalt  }
0x85: {  	_ =	shalt  }
0x86: {  	_ =	shalt  }
0x87: {  	_ =	shalt  }
.Lfunc_end0:
.L_simem_size_0:
called_computation.1_lowered:
.L_overlay_start_0:
0x88: {  	s0 =	sld [smem:$0x3FD9]  }
0x89: {  	s1 =	sld [smem:$0x3FFE];
	_ =	sdelay $0x3  }
0x8a: {  	s0 =	sadd.s32 s1, s0  }
0x8b: {  	[smem:$0x3FC6] =	sst s0  }
0x8c: {  	_ = 	snop  }
0x8d: {  	s0 =	sld [smem:$0x3FC8]  }
0x8e: {  	s16 =	sld [smem:$0x3FD0];
	(tm) =	ssettm $0x1  }
0x8f: {  	s2 =	sld [smem:$0x3FFB];
	_ =	sdelay $0x3  }
0x90: {  	_ =	strace s2  }
0x91: {  	s2 =	sld [smem:$0x3FFC];
	_ =	sdelay $0x3  }
0x92: {  	_ =	strace s2  }
0x93: {  	s2 =	sld [smem:$0x3FFD];
	_ =	sdelay $0x3  }
0x94: {  	_ =	strace s2  }
0x95: {  	_ =	strace $0x8FFFFFFF  }
0x96: {  	s17 =	sld [smem:$0x3FDB];
	_ =	sdelay $0x1  }
0x97: {  	s3 =	simm.s32 $_scs_section_size  }
0x98: {  	s4 =	simm.s32 $_size__tile_overlayer_lowered;
	s5 =	simm.s32 $_tile_overlayer_lowered  }
0x99: {  	s20 =	simm.s32 $0x1BFF;
	s19 =	sshll.u32 s5, $0x1;
	s2 =	sadd.s32 s3, s17  }
0x9a: {  	s6 =	simm.s32 $0x0;
	s18 =	sshll.u32 s4, $0x1;
	s4 =	sadd.s32 s19, s2  }
0x9b: {  	[timem:s6], [sflag:s20] =	dma.local [hbm:s4], s18  }
0x9c: {  	_ =	swait.ge [sflag:s20], s18  }
0x9d: {  	s3 =	ssub.s32 $0x0, s18;
	[sflag:s20] =	ssyncset.done $0x0  }
0x9e: {  	[sflag:s20] =	ssyncadd.s32 s3;
	_ =	sdelay $0x1  }
0x9f: {  	s21 =	simm.s32 $0x1B8B  }
0xa0: {  	_ =	swait.ge [sflag:s21], $0x1  }
0xa1: {  	[sflag:s21] =	ssyncset.done $0x0  }
0xa2: {  	s23 =	simm.s32 $0x1B8E;
	s22 =	sld [smem:$0x3FFE];
	[sflag:s21] =	ssyncadd.s32 $0xFFFFFFFF  }
0xa3: {  	s24 =	simm.s32 $execute0_lowered;
	[smem:$0x3FD2] =	sst s23  }
0xa4: {  	s4 =	sshll.u32 s24, $0x1;
	_ =	strace $0x80000049;
	[dreg:$0x1] =	wrdreg $0xFFFFFFFF  }
0xa5: {  	s25 =	simm.s32 $_size_execute0_lowered;
	s2 =	sadd.s32 s2, s4;
	[dreg:$0x0] =	wrdreg $0x0  }
0xa6: {  	s4 =	sshll.u32 s25, $0x1;
	[dreg:$0x2] =	wrdreg s2  }
0xa7: {  	[dreg:$0x3] =	wrdreg s4  }
0xa8: {  	[dreg:$0x4] =	wrdreg $0xC0  }
0xa9: {  	_ =	task [dreg:s6], $0x5FFFF  }
0xaa: {  	[dreg:$0x1] =	wrdreg $0xFFFFFFFF  }
0xab: {  	[dreg:$0x0] =	wrdreg $0x60  }
0xac: {  	[dreg:$0x2] =	wrdreg s0  }
0xad: {  	[dreg:$0x3] =	wrdreg s16  }
0xae: {  	[dreg:$0x4] =	wrdreg s22  }
0xaf: {  	[dreg:$0x5] =	wrdreg $0x9  }
0xb0: {  	_ =	task.clear_ibuf [dreg:s6], $0x6FFFF;
	_ =	strace $0x90000049  }
0xb1: {  	s26 =	simm.s32 $0x9;
	_ =	strace $0x8000004B  }
0xb2: {  	_ =	swait.ge [sflag:s26], $0x1  }
0xb3: {  	[sflag:s26] =	ssyncadd.s32 $0xFFFFFFFF  }
0xb4: {  	_ =	strace $0x9000004B  }
0xb5: {  	_ =	sfence  }
0xb6: {  	s28 =	sld [smem:$0x0];
	_ =	sdelay $0x1  }
0xb7: {  	s29 =	srdreg.scid  }
0xb8: {  	s30 =	sshll.u32 s29, $0xD;
	s31 =	sshrl.u32 s29, $0x2  }
0xb9: {  	s1 =	sand.u32 $0x1, s29;
	s2 =	sand.u32 $0x4000, s30;
	s0 =	sadd.s32 s31, s28  }
0xba: {  	s1 =	sor.u32 s2, s1;
	s0 =	sshll.u32 s0, $0x11  }
0xbb: {  	s0 =	sor.u32 s0, s1  }
0xbc: {  	s0 =	sadd.s32 $0x8F2B, s0  }
0xbd: {  	[sflag:s0] =	ssyncadd.remote.s32 $0x1  }
0xbe: {  	_ =	sfence.sel $0xFFFF  }
0xbf: {  	[dreg:$0x0] =	wrdreg $0xFFFFFFFF;
	(pc) =	sbr.abs _section_cstart, $3  }
0xc0: {  	[dreg:$0x1] =	wrdreg $0xFFFFFFFF  }
0xc1: {  	_ =	task.clear_ibuf [dreg:s6], $0x2FFFF;
	_ =	strace $0x9FFFFFFF  }
0xc2: {  	(tm) =	ssettm $0x7FFFFFFF  }
0xc3: {  	_ =	shalt  }
tec
execute0_lowered:
.L_overlay_start_1:
0x0: {  	(tag) =	ssettag $0x1  }
0x1: {  	s2 =	rddreg [dreg:$0x0]  }
0x2: {  	s3 =	rddreg [dreg:$0x1]  }
0x3: {  	s4 =	rddreg [dreg:$0x2];
	s1 =	stileid.u32  }
0x4: {  	s0 =	rddreg [dreg:$0x3];
	_ =	strace $0x8000004A;
	s6 =	simm.s32 $0x1  }
0x5: {  	s8 =	simm.s32 $0x2;
	s30 =	simm.s32 $0x3;
	s5 =	sshll.u32 s1, $0x4  }
0x6: {  	s12 =	simm.s32 $0x0;
	s9 =	simm.s32 $0x0;
	s7 =	ssub.s32 $0x1380, s5  }
0x7: {  	s10 =	simm.s32 $0x0;
	[sflag:s6] =	ssyncpa.u1 $0x0;
	s6 =	sshrl.u32 s7, $0x8  }
0x8: {  	[sflag:s8] =	ssyncpa.u1 $0x0;
	s11 =	smov.u32 s5;
	s31 =	sshll.u32 s6, $0x4  }
0x9: {  	[sflag:s30] =	ssyncpa.u1 $0x0;
	s7 =	sadd.s32 $0x2, s6;
	s8 =	sadd.s32 $0x30, s31  }
.LBB2_1:
0xa: {  	p0 =	sgt.u32 s10, s6  }
0xb: {  	s13 =	sxor.u32 @!p0 $0xFFFFFFFF, s9;
	s14 =	sshrl.u32 @!p0 s11, $0x3  }
0xc: {  	s15 =	sand.u32 @!p0 $0x7, s11;
	s13 =	sand.u32 @!p0 $0x10, s13;
	s14 =	sadd.s32 @!p0 s3, s14  }
0xd: {  	[tilespmem:s13], [sflag:$0x2] =	stream.linear.gather @!p0 [hbm4b:s14+s15], $0x10, $0x38;
	[tilespmem:$0x40] =	vst v63  }
0xe: {  	p0 =	seq.s32 s9, $0x0  }
0xf: {  	p1 =	sge.u32 @!p0 s10, s7  }
0x10: {  	p0 =	por p1, p0  }
0x11: {  	s13 =	simm.s32 @!p0 $0x2  }
0x12: {  	_ =	swait.ge @!p0 [sflag:s13], $0x10  }
0x13: {  	[sflag:s13] =	ssyncset.done @!p0 $0x0  }
0x14: {  	[sflag:s13] =	ssyncadd.s32 @!p0 $0xFFFFFFF0;
	s13 =	sand.u32 @!p0 $0x10, s9  }
0x15: {  	(ifvalue) =	ssetifvalue @!p0 $0x7FFFFFFF;
	v0 =	vld.msk @!p0 [tilespmem:s13+$0x0 ss:$0x1], $0xffff;
	_ =	sdelay $0x4  }
0x16: {  	vm0 =	vgt.s32 @!p0 v0, $0x0  }
0x17: {  	v0 =	vnsel @!p0 vm0, $0x0, v0  }
0x18: {  	v0 =	vmin.u32 @!p0 v0, $0x1387;
	_ =	sdelay $0x3  }
0x19: {  	s14 =	simm.s32 @!p0 $0x0;
	s13 =	sor.u32 @!p0 $0x20, s13;
	(ifvalue) =	ssetifvalue @!p0 $0x7FFFFFFF;
	vm0 =	vmmov @!p0 $0xffff  }
0x1a: {  	[tilespmem:s13], [sflag:$0x1] =	stream.indirect_vreg.gather @!p0 [hbm4b:s2+s14], $0x1, v0, vm0, $0x4038;
	[tilespmem:$0x40] =	vst v63  }
0x1b: {  	s14 =	simm.s32 @!p0 $0x1  }
0x1c: {  	_ =	swait.ge @!p0 [sflag:s14], $0x10  }
0x1d: {  	s15 =	sshrl.u32 @!p0 s12, $0x3;
	[sflag:s14] =	ssyncset.done @!p0 $0x0  }
0x1e: {  	s12 =	sand.u32 @!p0 $0x7, s12;
	[sflag:s14] =	ssyncadd.s32 @!p0 $0xFFFFFFF0;
	s14 =	sadd.s32 @!p0 s4, s15  }
0x1f: {  	[hbm4b:s14+s12] =	stream.linear.scatter @!p0 [tilespmem:s13], [sflag:$0x3], $0x10, $0x38;
	[tilespmem:$0x40] =	vst v63  }
0x20: {  	s14 =	sadd.s32 $0x100, s11  }
0x21: {  	s9 =	sadd.s32 $0x10, s9;
	p1 =	sgt.s32 s14, $0x1387  }
0x22: {  	s14 =	smov.u32 @p1 s5;
	p1 =	sne.s32 s8, s9  }
.Ltmp0:
0x23: {  	p0 =	slt.u32 s10, $0x2;
	(pc) =	sbr.rel @p1 .LBB2_1-.Ltmp0, $4  }
0x24: {  	s13 =	simm.s32 @!p0 $0x3  }
0x25: {  	_ =	swait.ge @!p0 [sflag:s13], $0x10  }
0x26: {  	s12 =	smov.u32 s11;
	[sflag:s13] =	ssyncset.done @!p0 $0x0  }
0x27: {  	s10 =	sadd.s32 $0x1, s10;
	s11 =	smov.u32 s14;
	[sflag:s13] =	ssyncadd.s32 @!p0 $0xFFFFFFF0  }
0x28: {  	_ =	sfence.sel $0x180000  }
0x29: {  	s2 =	simm.s32 $0x2;
	[bflag:$0x0] =	sbarrier.arrive $0xFFFF  }
0x2a: {  	s30 =	simm.s32 $0x3;
	[sflag:s2] =	ssyncpa.u1 $0x1  }
0x2b: {  	s31 =	simm.s32 $0x1;
	[sflag:s30] =	ssyncpa.u1 $0x1  }
0x2c: {  	[sflag:s31] =	ssyncpa.u1 $0x1  }
0x2d: {  	p0 =	sne.s32 s1, $0x0;
	_ =	strace $0x9000004A  }
0x2e: {  	s0 =	sadd.s32 @!p0 $0x100000, s0;
	[bflag:$0x2] =	sbarrier.arrive $0xFFFF  }
0x2f: {  	[sflag:s0] =	ssyncadd.tile.s32 @!p0 $0x1;
	_ =	shalt  }
.Lfunc_end2:
_tile_overlayer_lowered:
.L_overlay_start_2:
0x30: {  	(tag) =	ssettag $0x2  }
0x31: {  	s0 =	rddreg [dreg:$0x0];
	s2 =	stileid.u32  }
0x32: {  	s1 =	rddreg [dreg:$0x1];
	p0 =	sne.s32 s2, $0x0  }
0x33: {  	s3 =	rddreg [dreg:$0x2];
	[bflag:$0x3] =	sbarrier.arrive $0xFFFF;
	s2 =	simm.s32 @!p0 $0x1C01  }
0x34: {  	[timem:s3], [sflag:s2] =	dma.local @!p0 [hbm:s0], s1  }
0x35: {  	s0 =	simm.s32 @!p0 $0x1  }
0x36: {  	_ =	swait.ge @!p0 [sflag:s0], s1  }
0x37: {  	s1 =	ssub.s32 @!p0 $0x0, s1;
	[sflag:s0] =	ssyncset.done @!p0 $0x0  }
0x38: {  	[sflag:s0] =	ssyncadd.s32 @!p0 s1  }
0x39: {  	[bflag:$0x3] =	sbarrier.arrive $0xFFFF  }
0x3a: {  	_ =	shalt  }

// kernel: gather_offload_async_start
scs
__scs_entry_jumppad:
0x0: {  	(pc) =	sbr.rel $0x88, $3  }
0x1: {  	(tag) =	ssettag $0x0;
	lr =	simm.s32 $0x1  }
0x2: {  	[smem:$0x3F9F] =	sst lr;
	_ =	strace $0xD0000000  }
0x3: {  	_ = 	snop  }
0x4: {  	_ = 	snop  }
0x5: {  	_ = 	snop  }
0x6: {  	_ = 	snop  }
0x7: {  	_ = 	snop  }
__scs_overlays_trampoline_lowered:
0x8: {  	[smem:$0x3FAE] =	sst s0  }
0x9: {  	[smem:$0x3FAF] =	sst s1  }
0xa: {  	[smem:$0x3FB0] =	sst s2  }
0xb: {  	[smem:$0x3FB1] =	sst s3  }
0xc: {  	[smem:$0x3FB2] =	sst s4  }
0xd: {  	[smem:$0x3FB3] =	sst s5  }
0xe: {  	[smem:$0x3FB4] =	sst s6  }
0xf: {  	[smem:$0x3FB5] =	sst s7  }
0x10: {  	[smem:$0x3FB6] =	sst s8  }
0x11: {  	[smem:$0x3FB7] =	sst s9;
	s0 =	simm.s32 @!p0 $0x0  }
0x12: {  	s1 =	sld [smem:$0x3F9D];
	s0 =	simm.s32 @p0 $0x1  }
0x13: {  	[smem:$0x3FB8] =	sst s0;
	s0 =	simm.s32 @!p1 $0x0  }
0x14: {  	s2 =	sld [smem:$0x3F9C];
	s0 =	simm.s32 @p1 $0x1  }
0x15: {  	[smem:$0x3FB9] =	sst s0;
	s0 =	simm.s32 @!p2 $0x0  }
0x16: {  	s3 =	sld [smem:$0x3FDB];
	s0 =	simm.s32 @p2 $0x1  }
0x17: {  	s4 =	simm.s32 $0x1BF5;
	[smem:$0x3FBB] =	sst s0  }
0x18: {  	s0 =	sld [smem:$0x3F9E];
	_ =	swait.ge [sflag:s4], $0x0  }
0x19: {  	s7 =	sld [smem:$0x3F9F]  }
0x1a: {  	s8 =	sadd.s32 $0xFFFFE003, lr  }
0x1b: {  	s9 =	sadd.s32 $0xFFFFFEF7, lr;
	s5 =	simm.s32 $0xFFFFFFFF;
	p2 =	slt.u32 s8, $0xFFFFF086  }
0x1c: {  	p1 =	slt.u32 s9, $0xF7A;
	s5 =	simm.s32 @!p2 $0x0  }
0x1d: {  	s5 =	simm.s32 @p1 $0x1;
	p0 =	seq.s32 s7, s2  }
0x1e: {  	s7 =	smul.u32 @!p0 $0xF7A, s2;
	p2 =	seq.s32 @!p0 s5, $0x0  }
0x1f: {  	s9 =	smul.u32 $0xF7A, s1;
	s8 =	simm.s32 @!p0 $0x1BF5;
	p2 =	por !p2, p0  }
0x20: {  	[sflag:s8] =	ssyncset.s32 @!p0 $0xFFFFF086;
	s6 =	sadd.s32 @!p0 s3, s7;
	s7 =	simm.s32 @!p0 $0x108  }
0x21: {  	s3 =	sadd.s32 s3, s9;
	s6 =	sadd.s32 @!p0 $0x88, s6;
	s7 =	simm.s32 @p2 $0x1082  }
0x22: {  	[simem:s7], [sflag:s8] =	dma.local @!p0 [hbm:s6], $0xF7A  }
0x23: {  	s9 =	sor.u32 $0xD0000000, s2;
	s6 =	simm.s32 $0x108;
	_ =	swait.ge @!p0 [sflag:s8], $0x0  }
0x24: {  	s3 =	sadd.s32 $0x88, s3;
	s6 =	simm.s32 @!p1 $0x1082;
	[sflag:s4] =	ssyncset.s32 $0xFFFFF086  }
0x25: {  	[simem:s6], [sflag:s4] =	dma.local [hbm:s3], $0xF7A  }
0x26: {  	[smem:$0x3F9F] =	sst s1;
	(tag) =	ssettag s2;
	_ =	strace s9  }
0x27: {  	s1 =	sld [smem:$0x3FAF]  }
0x28: {  	s2 =	sld [smem:$0x3FB0]  }
0x29: {  	s4 =	sld [smem:$0x3FB2]  }
0x2a: {  	p0 =	seq.s32 s5, $0x0;
	s5 =	sld [smem:$0x3FB3]  }
0x2b: {  	s6 =	sld [smem:$0x3FB4]  }
0x2c: {  	s7 =	sld [smem:$0x3FB5]  }
0x2d: {  	s3 =	simm.s32 $0x108;
	s8 =	sld [smem:$0x3FB6]  }
0x2e: {  	s3 =	simm.s32 @!p0 $0x1082;
	s9 =	sld [smem:$0x3FB7]  }
0x2f: {  	lr =	sadd.s32 s0, s3;
	s0 =	sld [smem:$0x3FAE]  }
0x30: {  	s3 =	sld [smem:$0x3FB1]  }
0x31: {  	[smem:$0x3FBA] =	sst s10  }
0x32: {  	s10 =	sld [smem:$0x3FB8];
	_ =	sdelay $0x3  }
0x33: {  	p0 =	seq.s32 s10, $0x1;
	s10 =	sld [smem:$0x3FBA];
	_ =	sdelay $0x3  }
0x34: {  	[smem:$0x3FBA] =	sst s10  }
0x35: {  	s10 =	sld [smem:$0x3FB9];
	_ =	sdelay $0x3  }
0x36: {  	p1 =	seq.s32 s10, $0x1;
	s10 =	sld [smem:$0x3FBA];
	_ =	sdelay $0x3  }
0x37: {  	[smem:$0x3FBA] =	sst s10  }
0x38: {  	s10 =	sld [smem:$0x3FBB]  }
0x39: {  	_ = 	snop;
	(pc) =	sbr.ind lr, $3  }
0x3a: {  	_ = 	snop  }
0x3b: {  	_ = 	snop  }
0x3c: {  	p2 =	seq.s32 s10, $0x1;
	s10 =	sld [smem:$0x3FBA]  }
0x3d: {  	_ =	shalt  }
0x3e: {  	_ =	shalt  }
0x3f: {  	_ =	shalt  }
0x40: {  	_ =	shalt  }
0x41: {  	_ =	shalt  }
0x42: {  	_ =	shalt  }
0x43: {  	_ =	shalt  }
0x44: {  	_ =	shalt  }
0x45: {  	_ =	shalt  }
0x46: {  	_ =	shalt  }
0x47: {  	_ =	shalt  }
0x48: {  	_ =	shalt  }
0x49: {  	_ =	shalt  }
0x4a: {  	_ =	shalt  }
0x4b: {  	_ =	shalt  }
0x4c: {  	_ =	shalt  }
0x4d: {  	_ =	shalt  }
0x4e: {  	_ =	shalt  }
0x4f: {  	_ =	shalt  }
0x50: {  	_ =	shalt  }
0x51: {  	_ =	shalt  }
0x52: {  	_ =	shalt  }
0x53: {  	_ =	shalt  }
0x54: {  	_ =	shalt  }
0x55: {  	_ =	shalt  }
0x56: {  	_ =	shalt  }
0x57: {  	_ =	shalt  }
0x58: {  	_ =	shalt  }
0x59: {  	_ =	shalt  }
0x5a: {  	_ =	shalt  }
0x5b: {  	_ =	shalt  }
0x5c: {  	_ =	shalt  }
0x5d: {  	_ =	shalt  }
0x5e: {  	_ =	shalt  }
0x5f: {  	_ =	shalt  }
0x60: {  	_ =	shalt  }
0x61: {  	_ =	shalt  }
0x62: {  	_ =	shalt  }
0x63: {  	_ =	shalt  }
0x64: {  	_ =	shalt  }
0x65: {  	_ =	shalt  }
0x66: {  	_ =	shalt  }
0x67: {  	_ =	shalt  }
0x68: {  	_ =	shalt  }
0x69: {  	_ =	shalt  }
0x6a: {  	_ =	shalt  }
0x6b: {  	_ =	shalt  }
0x6c: {  	_ =	shalt  }
0x6d: {  	_ =	shalt  }
0x6e: {  	_ =	shalt  }
0x6f: {  	_ =	shalt  }
0x70: {  	_ =	shalt  }
0x71: {  	_ =	shalt  }
0x72: {  	_ =	shalt  }
0x73: {  	_ =	shalt  }
0x74: {  	_ =	shalt  }
0x75: {  	_ =	shalt  }
0x76: {  	_ =	shalt  }
0x77: {  	_ =	shalt  }
0x78: {  	_ =	shalt  }
0x79: {  	_ =	shalt  }
0x7a: {  	_ =	shalt  }
0x7b: {  	_ =	shalt  }
0x7c: {  	_ =	shalt  }
0x7d: {  	_ =	shalt  }
0x7e: {  	_ =	shalt  }
0x7f: {  	_ =	shalt  }
0x80: {  	_ =	shalt  }
0x81: {  	_ =	shalt  }
0x82: {  	_ =	shalt  }
0x83: {  	_ =	shalt  }
0x84: {  	_ =	shalt  }
0x85: {  	_ =	shalt  }
0x86: {  	_ =	shalt  }
0x87: {  	_ =	shalt  }
.Lfunc_end0:
.L_simem_size_0:
called_computation_lowered:
.L_overlay_start_0:
0x88: {  	s0 =	sld [smem:$0x3FD9]  }
0x89: {  	s1 =	sld [smem:$0x3FFE];
	_ =	sdelay $0x3  }
0x8a: {  	s0 =	sadd.s32 s1, s0  }
0x8b: {  	[smem:$0x3FC6] =	sst s0  }
0x8c: {  	_ = 	snop  }
0x8d: {  	s0 =	sld [smem:$0x3FD0];
	(tm) =	ssettm $0x1  }
0x8e: {  	s16 =	sld [smem:$0x3FFB];
	_ =	sdelay $0x3  }
0x8f: {  	_ =	strace s16  }
0x90: {  	s1 =	sld [smem:$0x3FFC];
	_ =	sdelay $0x3  }
0x91: {  	_ =	strace s1  }
0x92: {  	s1 =	sld [smem:$0x3FFD];
	_ =	sdelay $0x3  }
0x93: {  	_ =	strace s1  }
0x94: {  	_ =	strace $0x8FFFFFFF  }
0x95: {  	s17 =	sld [smem:$0x3FDB];
	_ =	sdelay $0x1  }
0x96: {  	s2 =	simm.s32 $_scs_section_size  }
0x97: {  	s3 =	simm.s32 $_size__tile_overlayer_lowered;
	s4 =	simm.s32 $_tile_overlayer_lowered  }
0x98: {  	s20 =	simm.s32 $0x1BFF;
	s19 =	sshll.u32 s4, $0x1;
	s1 =	sadd.s32 s2, s17  }
0x99: {  	s5 =	simm.s32 $0x0;
	s18 =	sshll.u32 s3, $0x1;
	s3 =	sadd.s32 s19, s1  }
0x9a: {  	[timem:s5], [sflag:s20] =	dma.local [hbm:s3], s18  }
0x9b: {  	_ =	swait.ge [sflag:s20], s18  }
0x9c: {  	s2 =	ssub.s32 $0x0, s18;
	[sflag:s20] =	ssyncset.done $0x0  }
0x9d: {  	[sflag:s20] =	ssyncadd.s32 s2;
	_ =	sdelay $0x1  }
0x9e: {  	s21 =	simm.s32 $0x1B8B  }
0x9f: {  	_ =	swait.ge [sflag:s21], $0x1  }
0xa0: {  	[sflag:s21] =	ssyncset.done $0x0  }
0xa1: {  	s23 =	simm.s32 $0x1B8E;
	s22 =	sld [smem:$0x3FFE];
	[sflag:s21] =	ssyncadd.s32 $0xFFFFFFFF  }
0xa2: {  	s24 =	simm.s32 $execute0_lowered;
	[smem:$0x3FD2] =	sst s23  }
0xa3: {  	s3 =	sshll.u32 s24, $0x1;
	_ =	strace $0x80000046;
	[dreg:$0x1] =	wrdreg $0xFFFFFFFF  }
0xa4: {  	s25 =	simm.s32 $_size_execute0_lowered;
	s1 =	sadd.s32 s1, s3;
	[dreg:$0x0] =	wrdreg $0x0  }
0xa5: {  	s3 =	sshll.u32 s25, $0x1;
	[dreg:$0x2] =	wrdreg s1  }
0xa6: {  	[dreg:$0x3] =	wrdreg s3  }
0xa7: {  	[dreg:$0x4] =	wrdreg $0xC0  }
0xa8: {  	_ =	task [dreg:s5], $0x5FFFF  }
0xa9: {  	[dreg:$0x1] =	wrdreg $0xFFFFFFFF  }
0xaa: {  	[dreg:$0x0] =	wrdreg $0x60  }
0xab: {  	[dreg:$0x2] =	wrdreg s22  }
0xac: {  	[dreg:$0x3] =	wrdreg s0  }
0xad: {  	[dreg:$0x4] =	wrdreg $0x9  }
0xae: {  	_ =	task.clear_ibuf [dreg:s5], $0x5FFFF;
	_ =	strace $0x90000046  }
0xaf: {  	s26 =	simm.s32 $0x9;
	_ =	strace $0x80000048  }
0xb0: {  	_ =	swait.ge [sflag:s26], $0x1  }
0xb1: {  	[sflag:s26] =	ssyncadd.s32 $0xFFFFFFFF  }
0xb2: {  	_ =	strace $0x90000048  }
0xb3: {  	_ =	sfence  }
0xb4: {  	s28 =	sld [smem:$0x0];
	_ =	sdelay $0x1  }
0xb5: {  	s29 =	srdreg.scid  }
0xb6: {  	s30 =	sshll.u32 s29, $0xD;
	s31 =	sshrl.u32 s29, $0x2  }
0xb7: {  	s2 =	sand.u32 $0x4000, s30;
	s1 =	sand.u32 $0x1, s29;
	s0 =	sadd.s32 s31, s28  }
0xb8: {  	s1 =	sor.u32 s2, s1;
	s0 =	sshll.u32 s0, $0x11  }
0xb9: {  	s0 =	sor.u32 s0, s1  }
0xba: {  	s0 =	sadd.s32 $0x8F2B, s0  }
0xbb: {  	[sflag:s0] =	ssyncadd.remote.s32 $0x1  }
0xbc: {  	_ =	sfence.sel $0xFFFF  }
0xbd: {  	[dreg:$0x0] =	wrdreg $0xFFFFFFFF;
	(pc) =	sbr.abs _section_cstart, $3  }
0xbe: {  	[dreg:$0x1] =	wrdreg $0xFFFFFFFF  }
0xbf: {  	_ =	task.clear_ibuf [dreg:s5], $0x2FFFF;
	_ =	strace $0x9FFFFFFF  }
0xc0: {  	(tm) =	ssettm $0x7FFFFFFF  }
0xc1: {  	_ =	shalt  }
tec
execute0_lowered:
.L_overlay_start_1:
0x0: {  	(tag) =	ssettag $0x1  }
0x1: {  	s0 =	stileid.u32  }
0x2: {  	s1 =	smin.u32 s0, $0x9  }
0x3: {  	s1 =	sadd.s32 s0, s1  }
0x4: {  	s2 =	simm.s32 $0x190;
	p0 =	slt.u32 s0, $0x9;
	s1 =	smul.u32 $0xC8, s1  }
0x5: {  	s2 =	simm.s32 @!p0 $0xC8  }
0x6: {  	s2 =	sadd.s32 s2, s1  }
0x7: {  	s3 =	smin.u32 s2, $0x1388  }
0x8: {  	s7 =	ssub.s32 s3, s1  }
0x9: {  	p0 =	sgt.s32 s7, $0x0  }
0xa: {  	s7 =	simm.s32 @!p0 $0x0  }
0xb: {  	s31 =	sand.u32 $0xFFF8, s7  }
0xc: {  	s2 =	sshrl.u32 s31, $0x3  }
0xd: {  	s4 =	rddreg [dreg:$0x0];
	s2 =	smul.u32 $0x147B, s2  }
0xe: {  	s5 =	rddreg [dreg:$0x1]  }
0xf: {  	s6 =	simm.s32 $0x1;
	s10 =	simm.s32 $0x3;
	s8 =	sshrl.u32 s2, $0x11  }
0x10: {  	s13 =	simm.s32 $0x0;
	s12 =	simm.s32 $0x0;
	s9 =	smul.u32 $0xC8, s8  }
.Ltmp0:
0x11: {  	s11 =	smov.u32 s1;
	s2 =	rddreg [dreg:$0x2];
	(pc) =	sbr.rel .LBB2_1-.Ltmp0, $4  }
0x12: {  	_ =	strace $0x80000047;
	p0 =	sne.s32 s7, s9;
	s9 =	simm.s32 $0x1  }
0x13: {  	[sflag:s6] =	ssyncpa.u1 $0x0;
	s7 =	simm.s32 $0x2;
	s9 =	simm.s32 @!p0 $0x0  }
0x14: {  	[sflag:s7] =	ssyncpa.u1 $0x0;
	p0 =	por $0x0, $0x0;
	s8 =	sadd.s32 s8, s9  }
0x15: {  	vm0 =	vmmov $0xff;
	vm1 =	vcmask $0x3F20;
	s9 =	sadd.s32 $0x13A00, s4;
	[sflag:s10] =	ssyncpa.u1 $0x0;
	s10 =	sadd.s32 $0x1, s8  }
.LBB2_6:
0x16: {  	[hbm:s17] =	stream.linear.scatter [tilespmem:s14], [sflag:$0x3], $0x400, $0x38;
	[tilespmem:$0xC990] =	vst v63  }
.LBB2_7:
0x17: {  	s13 =	sadd.s32 $0xC8, s11  }
0x18: {  	s15 =	smov.u32 s1;
	p2 =	slt.s32 s13, s3  }
0x19: {  	s15 =	smov.u32 @p2 s13;
	p2 =	sne.s32 s12, s10  }
.Ltmp1:
0x1a: {  	p1 =	slt.u32 s12, $0x2;
	(pc) =	sbr.rel @!p2 .LBB2_8-.Ltmp1, $4  }
0x1b: {  	s14 =	simm.s32 @!p1 $0x3  }
0x1c: {  	s16 =	sadd.s32 $0x1, s12;
	_ =	swait.ge @!p1 [sflag:s14], $0x6400  }
0x1d: {  	p0 =	por !p0, !p0;
	s13 =	smov.u32 s11;
	[sflag:s14] =	ssyncset.done @!p1 $0x0  }
0x1e: {  	s12 =	smov.u32 s16;
	s11 =	smov.u32 s15;
	[sflag:s14] =	ssyncadd.s32 @!p1 $0xFFFF9C00  }
.LBB2_1:
0x1f: {  	p1 =	sge.u32 s12, s8  }
0x20: {  	s14 =	sxor.u32 @!p1 $0xFFFFFFFF, s12  }
0x21: {  	s14 =	sand.u32 @!p1 $0x1, s14  }
0x22: {  	s14 =	smul.u32 @!p1 $0x320, s14  }
0x23: {  	s31 =	sadd.s32 $0xFFFFFFFF, s12;
	s15 =	sshrl.u32 @!p1 s11, $0x3  }
0x24: {  	s16 =	sand.u32 @!p1 $0x7, s11;
	s15 =	sadd.s32 @!p1 s5, s15;
	s14 =	sshrl.u32 @!p1 s14, $0x2  }
0x25: {  	[tilespmem:s14], [sflag:$0x2] =	stream.linear.gather @!p1 [hbm4b:s15+s16], $0xC8, $0x38;
	[tilespmem:$0xC990] =	vst v63  }
0x26: {  	p1 =	sge.u32 s31, s8  }
.Ltmp2:
0x27: {  	_ = 	snop;
	(pc) =	sbr.rel @p1 .LBB2_7-.Ltmp2, $1  }
0x28: {  	_ =	sdelay $0x3  }
0x29: {  	s14 =	simm.s32 $0x1  }
0x2a: {  	s14 =	simm.s32 @!p0 $0x0  }
0x2b: {  	s15 =	smul.u32 $0x320, s14  }
0x2c: {  	_ =	swait.ge [sflag:s7], $0xC8  }
0x2d: {  	[sflag:s7] =	ssyncset.done $0x0;
	s16 =	sshrl.u32 s15, $0x2  }
0x2e: {  	[sflag:s7] =	ssyncadd.s32 $0xFFFFFF38;
	s15 =	sadd.s32 $0x0, s16  }
0x2f: {  	v0 =	vld.msk [tilespmem:s15+$0x0 ss:$0x1], $0xffff;
	_ =	sdelay $0x4  }
0x30: {  	vm2 =	vgt.s32 v0, $0x0  }
0x31: {  	v0 =	vnsel vm2, $0x0, v0  }
0x32: {  	v0 =	vmin.u32 v0, $0x1387  }
0x33: {  	v0 =	vshll.u32 v0, $0x4  }
0x34: {  	s14 =	smul.u32 $0x19000, s14  }
0x35: {  	s31 =	sand.u32 $0x1, s12  }
0x36: {  	s17 =	smul.u32 $0x320, s31;
	s14 =	sshrl.u32 s14, $0x2  }
0x37: {  	s19 =	smul.u32 $0x19000, s31;
	s14 =	sor.u32 $0x190, s14  }
0x38: {  	[tilespmem:s14], [sflag:$0x1] =	stream.indirect_vreg.gather [hbm:s4], $0x80, v0, vm0, $0x38;
	[tilespmem:$0xC990] =	vst v63  }
0x39: {  	s18 =	sshrl.u32 s17, $0x2;
	s20 =	sadd.s32 $0x10, s16;
	s15 =	sadd.s32 $0x400, s14  }
0x3a: {  	[tilespmem:s15], [sflag:$0x1] =	stream.indirect_vreg.gather [hbm:s4], $0x80, v0, vm1, $0x38;
	[tilespmem:$0xC990] =	vst v63  }
0x3b: {  	s17 =	sshrl.u32 s19, $0x2;
	s19 =	smov.u32 s14;
	v0 =	vld.msk [tilespmem:s20+$0x0 ss:$0x1], $0xffff;
	s20 =	simm.s32 $0x80  }
.LBB2_3:
0x3c: {  	p1 =	sne.s32 s20, $0x2C0;
	_ =	sdelay $0x4  }
0x3d: {  	vm2 =	vgt.s32 v0, $0x0  }
0x3e: {  	v0 =	vnsel vm2, $0x0, v0  }
0x3f: {  	v0 =	vmin.u32 v0, $0x1387  }
0x40: {  	v0 =	vshll.u32 v0, $0x4;
	_ =	sdelay $0x3  }
.Ltmp3:
0x41: {  	s21 =	sshra.s32 s20, $0x2;
	s19 =	sadd.s32 $0x800, s19;
	(pc) =	sbr.rel @p1 .LBB2_3-.Ltmp3, $4  }
0x42: {  	[tilespmem:s19], [sflag:$0x1] =	stream.indirect_vreg.gather [hbm:s4], $0x80, v0, vm0, $0x38;
	[tilespmem:$0xC990] =	vst v63  }
0x43: {  	s21 =	sadd.s32 s21, s16;
	s22 =	sadd.s32 $0x400, s19  }
0x44: {  	[tilespmem:s22], [sflag:$0x1] =	stream.indirect_vreg.gather [hbm:s4], $0x80, v0, vm1, $0x38;
	[tilespmem:$0xC990] =	vst v63  }
0x45: {  	s20 =	sadd.s32 $0x40, s20;
	v0 =	vld.msk [tilespmem:s21+$0x0 ss:$0x1], $0xffff  }
0x46: {  	_ =	sdelay $0x3  }
0x47: {  	vm2 =	vgt.s32 v0, $0x0  }
0x48: {  	v0 =	vnsel vm2, $0x0, v0  }
0x49: {  	v0 =	vmin.u32 v0, $0x1387  }
0x4a: {  	v0 =	vshll.u32 v0, $0x4;
	_ =	sdelay $0x3  }
0x4b: {  	s16 =	sadd.s32 $0x800, s19  }
0x4c: {  	[tilespmem:s16], [sflag:$0x1] =	stream.indirect_vreg.gather [hbm:s4], $0x80, v0, vm0, $0x38;
	[tilespmem:$0xC990] =	vst v63  }
0x4d: {  	s16 =	sadd.s32 $0x400, s16  }
0x4e: {  	[tilespmem:s16], [sflag:$0x1] =	stream.indirect_vreg.gather [hbm:s4], $0x80, v0, vm1, $0x38;
	[tilespmem:$0xC990] =	vst v63  }
0x4f: {  	v0 =	vld.msk [tilespmem:s18+$0xC0 ss:$0x1], $0xff;
	_ =	sdelay $0x4  }
0x50: {  	vm2 =	vgt.s32 v0, $0x0  }
0x51: {  	v0 =	vnsel vm2, $0x0, v0  }
0x52: {  	v0 =	vmin.u32 v0, $0x1387  }
0x53: {  	v0 =	vshll.u32 v0, $0x4;
	_ =	sdelay $0x3  }
0x54: {  	s31 =	sadd.s32 $0x6190, s17  }
0x55: {  	[tilespmem:s31], [sflag:$0x1] =	stream.indirect_vreg.gather [hbm:s4], $0x80, v0, vm0, $0x38;
	[tilespmem:$0xC990] =	vst v63  }
0x56: {  	s13 =	sshll.u32 s13, $0x4;
	_ =	swait.ge [sflag:s6], $0x6400  }
0x57: {  	s13 =	sadd.s32 s13, s9;
	[sflag:s6] =	ssyncset.done $0x0  }
0x58: {  	s17 =	sadd.s32 $0x0, s13;
	s16 =	simm.s32 $0x80;
	[sflag:s6] =	ssyncadd.s32 $0xFFFF9C00  }
.LBB2_5:
0x59: {  	[hbm:s17] =	stream.linear.scatter [tilespmem:s14], [sflag:$0x3], $0x400, $0x38;
	[tilespmem:$0xC990] =	vst v63  }
0x5a: {  	s17 =	smov.u32 s16;
	s14 =	smov.u32 s15;
	p1 =	sne.s32 s16, $0xC00  }
.Ltmp4:
0x5b: {  	s16 =	sadd.s32 $0x80, s16;
	(pc) =	sbr.rel @p1 .LBB2_5-.Ltmp4, $2  }
0x5c: {  	_ =	sdelay $0x2  }
0x5d: {  	s15 =	sadd.s32 $0x400, s15;
	s17 =	sadd.s32 s17, s13  }
.Ltmp5:
0x5e: {  	_ = 	snop;
	(pc) =	sbr.rel .LBB2_6-.Ltmp5, $1  }
0x5f: {  	_ =	sdelay $0x3  }
.LBB2_8:
0x60: {  	_ =	sfence.sel $0x180000  }
0x61: {  	s1 =	simm.s32 $0x2;
	[bflag:$0x0] =	sbarrier.arrive $0xFFFF  }
0x62: {  	s30 =	simm.s32 $0x3;
	[sflag:s1] =	ssyncpa.u1 $0x1  }
0x63: {  	s31 =	simm.s32 $0x1;
	[sflag:s30] =	ssyncpa.u1 $0x1  }
0x64: {  	[sflag:s31] =	ssyncpa.u1 $0x1  }
0x65: {  	p0 =	sne.s32 s0, $0x0;
	_ =	strace $0x90000047  }
0x66: {  	s0 =	sadd.s32 @!p0 $0x100000, s2;
	[bflag:$0x2] =	sbarrier.arrive $0xFFFF  }
0x67: {  	[sflag:s0] =	ssyncadd.tile.s32 @!p0 $0x1;
	_ =	shalt  }
.Lfunc_end2:
_tile_overlayer_lowered:
.L_overlay_start_2:
0x68: {  	(tag) =	ssettag $0x2  }
0x69: {  	s0 =	rddreg [dreg:$0x0];
	s2 =	stileid.u32  }
0x6a: {  	s1 =	rddreg [dreg:$0x1];
	p0 =	sne.s32 s2, $0x0  }
0x6b: {  	s3 =	rddreg [dreg:$0x2];
	[bflag:$0x3] =	sbarrier.arrive $0xFFFF;
	s2 =	simm.s32 @!p0 $0x1C01  }
0x6c: {  	[timem:s3], [sflag:s2] =	dma.local @!p0 [hbm:s0], s1  }
0x6d: {  	s0 =	simm.s32 @!p0 $0x1  }
0x6e: {  	_ =	swait.ge @!p0 [sflag:s0], s1  }
0x6f: {  	s1 =	ssub.s32 @!p0 $0x0, s1;
	[sflag:s0] =	ssyncset.done @!p0 $0x0  }
0x70: {  	[sflag:s0] =	ssyncadd.s32 @!p0 s1  }
0x71: {  	[bflag:$0x3] =	sbarrier.arrive $0xFFFF  }
0x72: {  	_ =	shalt  }

</sc_bundles>
